<compile_context>
chip_gen: v7x
topology: tpu7x:2x2x1
jax: 0.10.2.dev20260603
libtpu: 0.0.44.dev20260713+nightly
codegen_flags: <defaults>
</compile_context>

<pallas_src>
import functools

import jax
import jax.numpy as jnp
from jax import lax
from jax.experimental import pallas as pl
from jax.experimental.pallas import tpu as pltpu
from jax.experimental.pallas import tpu_sc as plsc

_B = 16384
_TILE = 1024
_GRID = _B // _TILE
_F = 256
_NC = 2
_NS = 16
_BPW = _B // (_NC * _NS)


def _sc_gather3(idx3, big, combo):
    mesh = plsc.VectorSubcoreMesh(core_axis_name="c", subcore_axis_name="s")

    def body(idx_hbm, big_hbm, co_hbm,
             uo_hbm, mo_hbm, co_out_hbm, idx_v, rows_v, sem):
        wid = lax.axis_index("s") * _NC + lax.axis_index("c")
        base = wid * _BPW
        pltpu.sync_copy(idx_hbm.at[pl.ds(base, _BPW)], idx_v)
        pltpu.async_copy(big_hbm.at[idx_v], rows_v, sem).wait()
        pltpu.sync_copy(rows_v, uo_hbm.at[pl.ds(base, _BPW)])
        pltpu.sync_copy(idx_hbm.at[pl.ds(_B + base, _BPW)], idx_v)
        pltpu.async_copy(big_hbm.at[idx_v], rows_v, sem).wait()
        pltpu.sync_copy(rows_v, mo_hbm.at[pl.ds(base, _BPW)])
        pltpu.sync_copy(idx_hbm.at[pl.ds(2 * _B + base, _BPW)], idx_v)
        pltpu.async_copy(co_hbm.at[idx_v], rows_v, sem).wait()
        pltpu.sync_copy(rows_v, co_out_hbm.at[pl.ds(base, _BPW)])

    f = pl.kernel(
        body,
        out_type=(
            jax.ShapeDtypeStruct((_B, 128), jnp.float32),
            jax.ShapeDtypeStruct((_B, 128), jnp.float32),
            jax.ShapeDtypeStruct((_B, 128), jnp.float32),
        ),
        mesh=mesh,
        scratch_types=[
            pltpu.VMEM((_BPW,), jnp.int32),
            pltpu.VMEM((_BPW, 128), jnp.float32),
            pltpu.SemaphoreType.DMA,
        ],
    )
    return f(idx3, big, combo)


def _k1(u_ref, mv_ref, c_ref, gen_ref, rt_ref, im_ref,
        T_ref, Qw_ref, Pw_ref, GWw_ref, gbw_ref, ugbw_ref, W1_ref,
        x_ref, s1_ref, q1_ref):
    i = pl.program_id(0)
    f32 = jnp.float32
    bf16 = jnp.bfloat16
    gvw = jnp.dot(gen_ref[...], GWw_ref[...],
                  preferred_element_type=f32) + gbw_ref[...]
    u = u_ref[:, 0:64]
    tmp = jnp.dot(u.astype(bf16), T_ref[...], preferred_element_type=f32)
    gvr = jnp.dot(gvw.astype(bf16), Qw_ref[...], preferred_element_type=f32)
    cross_w = jnp.dot((tmp * gvr).astype(bf16), Pw_ref[...],
                      preferred_element_type=f32) + ugbw_ref[...]
    rt = rt_ref[...]
    rt_hi = rt.astype(bf16).astype(f32)
    rt_lo = rt - rt_hi
    imp = im_ref[...]
    z96 = jnp.zeros((_TILE, 96), f32)
    z29 = jnp.zeros((_TILE, 29), f32)
    rtblock = jnp.concatenate([z96, rt_hi, rt_lo, imp, z29], axis=1)
    reg1 = c_ref[...] + gvw + cross_w + rtblock
    x16 = jnp.concatenate([u, mv_ref[:, 64:128], reg1], axis=1).astype(bf16)
    x_ref[...] = x16
    y1 = jnp.dot(x16, W1_ref[...], preferred_element_type=f32)

    @pl.when(i == 0)
    def _():
        s1_ref[...] = jnp.zeros_like(s1_ref)
        q1_ref[...] = jnp.zeros_like(q1_ref)

    s1_ref[...] += jnp.sum(y1, axis=0, keepdims=True)
    q1_ref[...] += jnp.sum(y1 * y1, axis=0, keepdims=True)


def _bn_scale_shift(s_ref, q_ref, g_ref, be_ref):
    mu = s_ref[...] * (1.0 / _B)
    var = q_ref[...] * (1.0 / _B) - mu * mu
    scale = lax.rsqrt(var + 1e-5) * g_ref[...]
    shift = be_ref[...] - mu * scale
    return scale, shift


def _k2(x_ref, s1_ref, q1_ref, g_ref, be_ref,
        W1_ref, pW1_ref, pb1_ref, W2f_ref,
        h1_ref, y2_ref, s2_ref, q2_ref, w2_scr):
    i = pl.program_id(0)
    f32 = jnp.float32
    bf16 = jnp.bfloat16

    @pl.when(i == 0)
    def _():
        w2_scr[...] = W2f_ref[...].astype(bf16)
        s2_ref[...] = jnp.zeros_like(s2_ref)
        q2_ref[...] = jnp.zeros_like(q2_ref)

    scale, shift = _bn_scale_shift(s1_ref, q1_ref, g_ref, be_ref)
    x = x_ref[...]
    y1 = jnp.dot(x, W1_ref[...], preferred_element_type=f32)
    y1p = jnp.dot(x, pW1_ref[...], preferred_element_type=f32) + pb1_ref[...]
    h1 = jnp.maximum(y1 * scale + shift, 0.0) + y1p
    h1b = h1.astype(bf16)
    h1_ref[...] = h1b
    y2 = jnp.dot(h1b, w2_scr[...], preferred_element_type=f32)
    y2b = y2.astype(bf16)
    y2_ref[...] = y2b
    y2f = y2b.astype(f32)

    s2_ref[...] += jnp.sum(y2f, axis=0, keepdims=True)
    q2_ref[...] += jnp.sum(y2f * y2f, axis=0, keepdims=True)


def _k3(h1_ref, y2_ref, s_ref, q_ref, g_ref, be_ref, W3f_ref, pW3f_ref,
        pb3_ref, ow_ref, y3_ref, lo3_ref, s3_ref, q3_ref, w3_scr, pw3_scr):
    i = pl.program_id(0)
    f32 = jnp.float32
    bf16 = jnp.bfloat16

    @pl.when(i == 0)
    def _():
        w3_scr[...] = W3f_ref[...].astype(bf16)
        pw3_scr[...] = pW3f_ref[...].astype(bf16)
        s3_ref[...] = jnp.zeros_like(s3_ref)
        q3_ref[...] = jnp.zeros_like(q3_ref)

    scale, shift = _bn_scale_shift(s_ref, q_ref, g_ref, be_ref)
    h2 = (jnp.maximum(y2_ref[...].astype(f32) * scale + shift, 0.0)
          + h1_ref[...].astype(f32))
    h2b = h2.astype(bf16)
    y3 = jnp.dot(h2b, w3_scr[...], preferred_element_type=f32)
    y3p = jnp.dot(h2b, pw3_scr[...], preferred_element_type=f32) + pb3_ref[...]
    y3b = y3.astype(bf16)
    y3_ref[...] = y3b
    y3f = y3b.astype(f32)
    lo3_ref[...] = jnp.sum(y3p * ow_ref[...], axis=1, keepdims=True)

    s3_ref[...] += jnp.sum(y3f, axis=0, keepdims=True)
    q3_ref[...] += jnp.sum(y3f * y3f, axis=0, keepdims=True)


def _k4(y3_ref, lo3_ref, s_ref, q_ref, g_ref, be_ref, ow_ref, ob_ref, out_ref):
    scale, shift = _bn_scale_shift(s_ref, q_ref, g_ref, be_ref)
    h3r = jnp.maximum(y3_ref[...].astype(jnp.float32) * scale + shift, 0.0)
    out_ref[...] = (jnp.sum(h3r * ow_ref[...], axis=1, keepdims=True)
                    + lo3_ref[...] + ob_ref[...])


def _const_spec(shape):
    nd = len(shape)
    return pl.BlockSpec(shape, lambda i: (0,) * nd)


def _tile_spec(cols, rows=_TILE):
    return pl.BlockSpec((rows, cols), lambda i: (i, 0))


_SEQ = pltpu.CompilerParams(dimension_semantics=("arbitrary",))


def kernel(user_id, gender, age, occupation, movie_id, genres, rating, implicit,
           emb_user, emb_gender, emb_age, emb_occ, emb_movie,
           genre_W, genre_b, ug_W, ug_b,
           b1_W, b1_b, b1_g, b1_beta, b1_pW, b1_pb,
           b2_W, b2_b, b2_g, b2_beta,
           b3_W, b3_b, b3_g, b3_beta, b3_pW, b3_pb,
           out_W, out_b):
    f32 = jnp.float32
    bf16 = jnp.bfloat16
    idx3 = jnp.concatenate([
        user_id.astype(jnp.int32),
        movie_id.astype(jnp.int32),
        (gender * 256 + age * 32 + occupation).astype(jnp.int32),
    ])

    big = jnp.concatenate([emb_user, emb_movie], axis=1)
    g1024 = jnp.arange(1024)
    combo = jnp.concatenate(
        [emb_gender[g1024 // 256], emb_age[(g1024 // 32) % 8],
         emb_occ[g1024 % 32], jnp.zeros((1024, 96), f32)], axis=1)

    u128, m128, c128 = _sc_gather3(idx3, big, combo)

    T = ug_W.reshape(64, 1024).astype(bf16)
    c1024 = jnp.arange(1024)
    Qw = jnp.pad((jnp.arange(32)[:, None] == (c1024[None, :] // 32)
                  ).astype(bf16), ((32, 64), (0, 0)))
    Pw = jnp.pad(((c1024[:, None] % 32) == jnp.arange(32)[None, :]
                  ).astype(bf16), ((0, 0), (64, 32)))
    GWw = jnp.pad(genre_W, ((0, 0), (32, 64)))
    gbw = jnp.pad(genre_b[None, :], ((0, 0), (32, 64)))
    ugbw = jnp.pad(ug_b[None, :], ((0, 0), (64, 32)))

    def permute_w1(W):
        return jnp.concatenate(
            [W[0:64], W[96:160], W[64:96], W[160:192], W[194:226],
             W[192:193], W[192:193], W[193:194],
             jnp.zeros((29, W.shape[1]), f32)], axis=0)

    W1b = permute_w1(b1_W).astype(bf16)
    pW1b = permute_w1(b1_pW).astype(bf16)

    x16, s1, q1 = pl.pallas_call(
        _k1,
        grid=(_GRID,),
        in_specs=[
            _tile_spec(128), _tile_spec(128), _tile_spec(128),
            _tile_spec(19), _tile_spec(1), _tile_spec(1),
            _const_spec((64, 1024)), _const_spec((128, 1024)),
            _const_spec((1024, 128)), _const_spec((19, 128)),
            _const_spec((1, 128)), _const_spec((1, 128)),
            _const_spec((_F, 1024)),
        ],
        out_specs=[
            _tile_spec(_F),
            _const_spec((1, 1024)), _const_spec((1, 1024)),
        ],
        out_shape=[
            jax.ShapeDtypeStruct((_B, _F), bf16),
            jax.ShapeDtypeStruct((1, 1024), f32),
            jax.ShapeDtypeStruct((1, 1024), f32),
        ],
        compiler_params=_SEQ,
    )(u128, m128, c128, genres, rating[:, None], implicit[:, None],
      T, Qw, Pw, GWw, gbw, ugbw, W1b)

    h1, y2, s2, q2 = pl.pallas_call(
        _k2,
        grid=(_GRID,),
        in_specs=[
            _tile_spec(_F),
            _const_spec((1, 1024)), _const_spec((1, 1024)),
            _const_spec((1, 1024)), _const_spec((1, 1024)),
            _const_spec((_F, 1024)), _const_spec((_F, 1024)),
            _const_spec((1, 1024)), _const_spec((1024, 1024)),
        ],
        out_specs=[
            _tile_spec(1024), _tile_spec(1024),
            _const_spec((1, 1024)), _const_spec((1, 1024)),
        ],
        out_shape=[
            jax.ShapeDtypeStruct((_B, 1024), bf16),
            jax.ShapeDtypeStruct((_B, 1024), bf16),
            jax.ShapeDtypeStruct((1, 1024), f32),
            jax.ShapeDtypeStruct((1, 1024), f32),
        ],
        scratch_shapes=[pltpu.VMEM((1024, 1024), bf16)],
        compiler_params=_SEQ,
    )(x16, s1, q1, b1_g.reshape(1, 1024), b1_beta.reshape(1, 1024),
      W1b, pW1b, b1_pb.reshape(1, 1024), b2_W)

    ow = out_W.reshape(1, 512)
    t3 = 1024
    y3, lo3, s3, q3 = pl.pallas_call(
        _k3,
        grid=(_B // t3,),
        in_specs=[
            _tile_spec(1024, t3), _tile_spec(1024, t3),
            _const_spec((1, 1024)), _const_spec((1, 1024)),
            _const_spec((1, 1024)), _const_spec((1, 1024)),
            _const_spec((1024, 512)), _const_spec((1024, 512)),
            _const_spec((1, 512)), _const_spec((1, 512)),
        ],
        out_specs=[
            _tile_spec(512, t3), _tile_spec(1, t3),
            _const_spec((1, 512)), _const_spec((1, 512)),
        ],
        out_shape=[
            jax.ShapeDtypeStruct((_B, 512), bf16),
            jax.ShapeDtypeStruct((_B, 1), f32),
            jax.ShapeDtypeStruct((1, 512), f32),
            jax.ShapeDtypeStruct((1, 512), f32),
        ],
        scratch_shapes=[pltpu.VMEM((1024, 512), bf16),
                        pltpu.VMEM((1024, 512), bf16)],
        compiler_params=_SEQ,
    )(h1, y2, s2, q2, b2_g.reshape(1, 1024), b2_beta.reshape(1, 1024),
      b3_W, b3_pW, b3_pb.reshape(1, 512), ow)

    t4 = 2048
    out = pl.pallas_call(
        _k4,
        grid=(_B // t4,),
        in_specs=[
            _tile_spec(512, t4), _tile_spec(1, t4),
            _const_spec((1, 512)), _const_spec((1, 512)),
            _const_spec((1, 512)), _const_spec((1, 512)),
            _const_spec((1, 512)), _const_spec((1, 1)),
        ],
        out_specs=_tile_spec(1, t4),
        out_shape=jax.ShapeDtypeStruct((_B, 1), f32),
        compiler_params=_SEQ,
    )(y3, lo3, s3, q3, b3_g.reshape(1, 512), b3_beta.reshape(1, 512),
      ow, out_b.reshape(1, 1))

    return out[:, 0]

# --- scband reference (transcript-rebuilt; emitter-appended) ---
"""Pipeline reference for scband-ranking-model-48842368090541 (READ-ONLY COPY).

The authoritative reference and input builder live on the scoring server;
editing this copy changes nothing except your own understanding.
"""

import jax, jax.numpy as jnp
import numpy as np

B = 16384

def _lin(k, i, o):
    return jax.random.normal(k, (i, o), dtype=jnp.float32) * (1.0 / np.sqrt(i))

def setup_inputs(seed: int = 0) -> dict:
    key = jax.random.key(seed)
    ks = jax.random.split(key, 32)
    inp = {}
    inp["user_id"] = jax.random.randint(ks[0], (B,), 0, 100000)
    inp["gender"] = jax.random.randint(ks[1], (B,), 0, 4)
    inp["age"] = jax.random.randint(ks[2], (B,), 0, 8)
    inp["occupation"] = jax.random.randint(ks[3], (B,), 0, 32)
    inp["movie_id"] = jax.random.randint(ks[4], (B,), 0, 100000)
    inp["genres"] = jax.random.uniform(ks[5], (B, 19), dtype=jnp.float32)
    inp["rating"] = jax.random.uniform(ks[6], (B,), dtype=jnp.float32) * 5.0
    inp["implicit"] = (jax.random.uniform(ks[7], (B,)) > 0.5).astype(jnp.float32)
    inp["emb_user"] = jax.random.normal(ks[8], (100000, 64), dtype=jnp.float32) * 0.02
    inp["emb_gender"] = jax.random.normal(ks[9], (4, 8), dtype=jnp.float32) * 0.02
    inp["emb_age"] = jax.random.normal(ks[10], (8, 8), dtype=jnp.float32) * 0.02
    inp["emb_occ"] = jax.random.normal(ks[11], (32, 16), dtype=jnp.float32) * 0.02
    inp["emb_movie"] = jax.random.normal(ks[12], (100000, 64), dtype=jnp.float32) * 0.02
    inp["genre_W"] = _lin(ks[13], 19, 32); inp["genre_b"] = jnp.zeros((32,), jnp.float32)
    inp["ug_W"] = _lin(ks[14], 2048, 32); inp["ug_b"] = jnp.zeros((32,), jnp.float32)
    inp["b1_W"] = _lin(ks[15], 226, 1024); inp["b1_b"] = jnp.zeros((1024,), jnp.float32)
    inp["b1_g"] = jnp.ones((1024,), jnp.float32); inp["b1_beta"] = jnp.zeros((1024,), jnp.float32)
    inp["b1_pW"] = _lin(ks[16], 226, 1024); inp["b1_pb"] = jnp.zeros((1024,), jnp.float32)
    inp["b2_W"] = _lin(ks[17], 1024, 1024); inp["b2_b"] = jnp.zeros((1024,), jnp.float32)
    inp["b2_g"] = jnp.ones((1024,), jnp.float32); inp["b2_beta"] = jnp.zeros((1024,), jnp.float32)
    inp["b3_W"] = _lin(ks[18], 1024, 512); inp["b3_b"] = jnp.zeros((512,), jnp.float32)
    inp["b3_g"] = jnp.ones((512,), jnp.float32); inp["b3_beta"] = jnp.zeros((512,), jnp.float32)
    inp["b3_pW"] = _lin(ks[19], 1024, 512); inp["b3_pb"] = jnp.zeros((512,), jnp.float32)
    inp["out_W"] = _lin(ks[20], 512, 1); inp["out_b"] = jnp.zeros((1,), jnp.float32)
    return inp

def _bn(x, g, beta):
    m = x.mean(0)
    v = x.var(0)
    return (x - m) / jnp.sqrt(v + 1e-5) * g + beta

def reference(user_id, gender, age, occupation, movie_id, genres, rating, implicit,
              emb_user, emb_gender, emb_age, emb_occ, emb_movie,
              genre_W, genre_b, ug_W, ug_b,
              b1_W, b1_b, b1_g, b1_beta, b1_pW, b1_pb,
              b2_W, b2_b, b2_g, b2_beta,
              b3_W, b3_b, b3_g, b3_beta, b3_pW, b3_pb,
              out_W, out_b):
    u = emb_user[user_id]
    ge = emb_gender[gender]
    ag = emb_age[age]
    oc = emb_occ[occupation]
    mv = emb_movie[movie_id]
    gv = genres @ genre_W + genre_b
    cross = (u[:, :, None] * gv[:, None, :]).reshape(u.shape[0], -1)
    cross = cross @ ug_W + ug_b
    x = jnp.concatenate([u, ge, ag, oc, mv, gv, rating[:, None], implicit[:, None], cross], axis=-1)
    h = jax.nn.relu(_bn(x @ b1_W + b1_b, b1_g, b1_beta)) + (x @ b1_pW + b1_pb)
    h = jax.nn.relu(_bn(h @ b2_W + b2_b, b2_g, b2_beta)) + h
    h = jax.nn.relu(_bn(h @ b3_W + b3_b, b3_g, b3_beta)) + (h @ b3_pW + b3_pb)
    logits = h @ out_W + out_b
    return logits.squeeze(-1)

if __name__ == "__main__":
    import jax
    _d = setup_inputs()
    print(jax.jit(kernel)(*tuple(_d.values())))

</pallas_src>

<mosaic_0001>
#map = affine_map<(d0, d1) -> (0)>
#map1 = affine_map<(d0, d1) -> (0, 0)>
module attributes {stable_mosaic.version = 14 : i64} {
  func.func @body(%arg0: i32, %arg1: i32, %arg2: memref<49152xi32, #tpu.memory_space<hbm>>, %arg3: memref<100000x128xf32, #tpu.memory_space<hbm>>, %arg4: memref<1024x128xf32, #tpu.memory_space<hbm>>, %arg5: memref<16384x128xf32, #tpu.memory_space<hbm>>, %arg6: memref<16384x128xf32, #tpu.memory_space<hbm>>, %arg7: memref<16384x128xf32, #tpu.memory_space<hbm>>, %arg8: memref<512xi32, #tpu.memory_space<vmem>>, %arg9: memref<512x128xf32, #tpu.memory_space<vmem>>, %arg10: memref<!tpu.dma_semaphore, #tpu.memory_space<semaphore_mem>>) attributes {dimension_semantics = [#tpu.dimension_semantics<core_parallel>, #tpu.dimension_semantics<subcore_parallel>], iteration_bounds = array<i64: 2, 16>, scalar_prefetch = 0 : i64, scratch_operands = 3 : i64, tpu.core_type = #tpu.core_type<sc_vector_subcore>, window_params = [{transform_indices = #map}, {transform_indices = #map1}, {transform_indices = #map1}, {transform_indices = #map1}, {transform_indices = #map1}, {transform_indices = #map1}]} {
    %mul3A = arith.constant 2 : i32
    %mul3A_0 = arith.muli %arg1, %mul3A : i32
    %add3A = arith.addi %mul3A_0, %arg0 : i32
    %mul3A_1 = arith.constant 512 : i32
    %mul3A_2 = arith.muli %add3A, %mul3A_1 : i32
    "tpu.region"() ({
      %run_scoped3A = tpu.sem_alloc : memref<!tpu.dma_semaphore, #tpu.memory_space<semaphore_mem>>
      %dma_start3A_23 = tpu.memref_slice %arg2[%mul3A_2] : memref<49152xi32, #tpu.memory_space<hbm>> -> memref<512xi32, #tpu.memory_space<hbm>>
      %dma_start3A_24 = tpu.memref_slice %arg2[%mul3A_2] : memref<49152xi32, #tpu.memory_space<hbm>> -> memref<512xi32, #tpu.memory_space<hbm>>
      tpu.enqueue_dma source(%dma_start3A_24 : memref<512xi32, #tpu.memory_space<hbm>>) target(%arg8 : memref<512xi32, #tpu.memory_space<vmem>>) target_semaphore(%run_scoped3A : memref<!tpu.dma_semaphore, #tpu.memory_space<semaphore_mem>>)
      %dma_wait3A_25 = tpu.memref_slice %arg2[%mul3A_2] : memref<49152xi32, #tpu.memory_space<hbm>> -> memref<512xi32, #tpu.memory_space<hbm>>
      %dma_wait3A_26 = tpu.memref_slice %arg2[%mul3A_2] : memref<49152xi32, #tpu.memory_space<hbm>> -> memref<512xi32, #tpu.memory_space<hbm>>
      tpu.wait_dma2 semaphore(%run_scoped3A : memref<!tpu.dma_semaphore, #tpu.memory_space<semaphore_mem>>) src(%dma_wait3A_26 : memref<512xi32, #tpu.memory_space<hbm>>) dst(%arg8 : memref<512xi32, #tpu.memory_space<vmem>>)
      tpu.yield
    }) : () -> ()
    %dma_start3A = arith.constant 0 : i32
    %dma_start3A_3 = arith.constant 0 : i32
    %dma_start3A_4 = tpu.memref_slice %arg3[%dma_start3A, %dma_start3A_3] : memref<100000x128xf32, #tpu.memory_space<hbm>> -> memref<100000x128xf32, #tpu.memory_space<hbm>>
    tpu.enqueue_indirect_dma source(%dma_start3A_4 : memref<100000x128xf32, #tpu.memory_space<hbm>>) target(%arg9 : memref<512x128xf32, #tpu.memory_space<vmem>>) offsets(%arg8 : memref<512xi32, #tpu.memory_space<vmem>>) semaphore(%arg10 : memref<!tpu.dma_semaphore, #tpu.memory_space<semaphore_mem>>)
    %dma_wait3A = arith.constant 0 : i32
    %dma_wait3A_5 = arith.constant 0 : i32
    %dma_wait3A_6 = tpu.memref_slice %arg3[%dma_wait3A, %dma_wait3A_5] : memref<100000x128xf32, #tpu.memory_space<hbm>> -> memref<100000x128xf32, #tpu.memory_space<hbm>>
    tpu.wait_indirect_dma semaphore(%arg10 : memref<!tpu.dma_semaphore, #tpu.memory_space<semaphore_mem>>) src(%dma_wait3A_6 : memref<100000x128xf32, #tpu.memory_space<hbm>>) dst(%arg9 : memref<512x128xf32, #tpu.memory_space<vmem>>)
    "tpu.region"() ({
      %run_scoped3A = tpu.sem_alloc : memref<!tpu.dma_semaphore, #tpu.memory_space<semaphore_mem>>
      %dma_start3A_23 = arith.constant 0 : i32
      %dma_start3A_24 = tpu.memref_slice %arg5[%mul3A_2, %dma_start3A_23] : memref<16384x128xf32, #tpu.memory_space<hbm>> -> memref<512x128xf32, #tpu.memory_space<hbm>>
      %dma_start3A_25 = arith.constant 0 : i32
      %dma_start3A_26 = tpu.memref_slice %arg5[%mul3A_2, %dma_start3A_25] : memref<16384x128xf32, #tpu.memory_space<hbm>> -> memref<512x128xf32, #tpu.memory_space<hbm>>
      tpu.enqueue_dma source(%arg9 : memref<512x128xf32, #tpu.memory_space<vmem>>) target(%dma_start3A_26 : memref<512x128xf32, #tpu.memory_space<hbm>>) target_semaphore(%run_scoped3A : memref<!tpu.dma_semaphore, #tpu.memory_space<semaphore_mem>>)
      %dma_wait3A_27 = arith.constant 0 : i32
      %dma_wait3A_28 = tpu.memref_slice %arg5[%mul3A_2, %dma_wait3A_27] : memref<16384x128xf32, #tpu.memory_space<hbm>> -> memref<512x128xf32, #tpu.memory_space<hbm>>
      %dma_wait3A_29 = arith.constant 0 : i32
      %dma_wait3A_30 = tpu.memref_slice %arg5[%mul3A_2, %dma_wait3A_29] : memref<16384x128xf32, #tpu.memory_space<hbm>> -> memref<512x128xf32, #tpu.memory_space<hbm>>
      tpu.wait_dma2 semaphore(%run_scoped3A : memref<!tpu.dma_semaphore, #tpu.memory_space<semaphore_mem>>) src(%arg9 : memref<512x128xf32, #tpu.memory_space<vmem>>) dst(%dma_wait3A_30 : memref<512x128xf32, #tpu.memory_space<hbm>>)
      tpu.yield
    }) : () -> ()
    %add3A_7 = arith.constant 16384 : i32
    %add3A_8 = arith.addi %add3A_7, %mul3A_2 : i32
    "tpu.region"() ({
      %run_scoped3A = tpu.sem_alloc : memref<!tpu.dma_semaphore, #tpu.memory_space<semaphore_mem>>
      %dma_start3A_23 = tpu.memref_slice %arg2[%add3A_8] : memref<49152xi32, #tpu.memory_space<hbm>> -> memref<512xi32, #tpu.memory_space<hbm>>
      %dma_start3A_24 = tpu.memref_slice %arg2[%add3A_8] : memref<49152xi32, #tpu.memory_space<hbm>> -> memref<512xi32, #tpu.memory_space<hbm>>
      tpu.enqueue_dma source(%dma_start3A_24 : memref<512xi32, #tpu.memory_space<hbm>>) target(%arg8 : memref<512xi32, #tpu.memory_space<vmem>>) target_semaphore(%run_scoped3A : memref<!tpu.dma_semaphore, #tpu.memory_space<semaphore_mem>>)
      %dma_wait3A_25 = tpu.memref_slice %arg2[%add3A_8] : memref<49152xi32, #tpu.memory_space<hbm>> -> memref<512xi32, #tpu.memory_space<hbm>>
      %dma_wait3A_26 = tpu.memref_slice %arg2[%add3A_8] : memref<49152xi32, #tpu.memory_space<hbm>> -> memref<512xi32, #tpu.memory_space<hbm>>
      tpu.wait_dma2 semaphore(%run_scoped3A : memref<!tpu.dma_semaphore, #tpu.memory_space<semaphore_mem>>) src(%dma_wait3A_26 : memref<512xi32, #tpu.memory_space<hbm>>) dst(%arg8 : memref<512xi32, #tpu.memory_space<vmem>>)
      tpu.yield
    }) : () -> ()
    %dma_start3A_9 = arith.constant 0 : i32
    %dma_start3A_10 = arith.constant 0 : i32
    %dma_start3A_11 = tpu.memref_slice %arg3[%dma_start3A_9, %dma_start3A_10] : memref<100000x128xf32, #tpu.memory_space<hbm>> -> memref<100000x128xf32, #tpu.memory_space<hbm>>
    tpu.enqueue_indirect_dma source(%dma_start3A_11 : memref<100000x128xf32, #tpu.memory_space<hbm>>) target(%arg9 : memref<512x128xf32, #tpu.memory_space<vmem>>) offsets(%arg8 : memref<512xi32, #tpu.memory_space<vmem>>) semaphore(%arg10 : memref<!tpu.dma_semaphore, #tpu.memory_space<semaphore_mem>>)
    %dma_wait3A_12 = arith.constant 0 : i32
    %dma_wait3A_13 = arith.constant 0 : i32
    %dma_wait3A_14 = tpu.memref_slice %arg3[%dma_wait3A_12, %dma_wait3A_13] : memref<100000x128xf32, #tpu.memory_space<hbm>> -> memref<100000x128xf32, #tpu.memory_space<hbm>>
    tpu.wait_indirect_dma semaphore(%arg10 : memref<!tpu.dma_semaphore, #tpu.memory_space<semaphore_mem>>) src(%dma_wait3A_14 : memref<100000x128xf32, #tpu.memory_space<hbm>>) dst(%arg9 : memref<512x128xf32, #tpu.memory_space<vmem>>)
    "tpu.region"() ({
      %run_scoped3A = tpu.sem_alloc : memref<!tpu.dma_semaphore, #tpu.memory_space<semaphore_mem>>
      %dma_start3A_23 = arith.constant 0 : i32
      %dma_start3A_24 = tpu.memref_slice %arg6[%mul3A_2, %dma_start3A_23] : memref<16384x128xf32, #tpu.memory_space<hbm>> -> memref<512x128xf32, #tpu.memory_space<hbm>>
      %dma_start3A_25 = arith.constant 0 : i32
      %dma_start3A_26 = tpu.memref_slice %arg6[%mul3A_2, %dma_start3A_25] : memref<16384x128xf32, #tpu.memory_space<hbm>> -> memref<512x128xf32, #tpu.memory_space<hbm>>
      tpu.enqueue_dma source(%arg9 : memref<512x128xf32, #tpu.memory_space<vmem>>) target(%dma_start3A_26 : memref<512x128xf32, #tpu.memory_space<hbm>>) target_semaphore(%run_scoped3A : memref<!tpu.dma_semaphore, #tpu.memory_space<semaphore_mem>>)
      %dma_wait3A_27 = arith.constant 0 : i32
      %dma_wait3A_28 = tpu.memref_slice %arg6[%mul3A_2, %dma_wait3A_27] : memref<16384x128xf32, #tpu.memory_space<hbm>> -> memref<512x128xf32, #tpu.memory_space<hbm>>
      %dma_wait3A_29 = arith.constant 0 : i32
      %dma_wait3A_30 = tpu.memref_slice %arg6[%mul3A_2, %dma_wait3A_29] : memref<16384x128xf32, #tpu.memory_space<hbm>> -> memref<512x128xf32, #tpu.memory_space<hbm>>
      tpu.wait_dma2 semaphore(%run_scoped3A : memref<!tpu.dma_semaphore, #tpu.memory_space<semaphore_mem>>) src(%arg9 : memref<512x128xf32, #tpu.memory_space<vmem>>) dst(%dma_wait3A_30 : memref<512x128xf32, #tpu.memory_space<hbm>>)
      tpu.yield
    }) : () -> ()
    %add3A_15 = arith.constant 32768 : i32
    %add3A_16 = arith.addi %add3A_15, %mul3A_2 : i32
    "tpu.region"() ({
      %run_scoped3A = tpu.sem_alloc : memref<!tpu.dma_semaphore, #tpu.memory_space<semaphore_mem>>
      %dma_start3A_23 = tpu.memref_slice %arg2[%add3A_16] : memref<49152xi32, #tpu.memory_space<hbm>> -> memref<512xi32, #tpu.memory_space<hbm>>
      %dma_start3A_24 = tpu.memref_slice %arg2[%add3A_16] : memref<49152xi32, #tpu.memory_space<hbm>> -> memref<512xi32, #tpu.memory_space<hbm>>
      tpu.enqueue_dma source(%dma_start3A_24 : memref<512xi32, #tpu.memory_space<hbm>>) target(%arg8 : memref<512xi32, #tpu.memory_space<vmem>>) target_semaphore(%run_scoped3A : memref<!tpu.dma_semaphore, #tpu.memory_space<semaphore_mem>>)
      %dma_wait3A_25 = tpu.memref_slice %arg2[%add3A_16] : memref<49152xi32, #tpu.memory_space<hbm>> -> memref<512xi32, #tpu.memory_space<hbm>>
      %dma_wait3A_26 = tpu.memref_slice %arg2[%add3A_16] : memref<49152xi32, #tpu.memory_space<hbm>> -> memref<512xi32, #tpu.memory_space<hbm>>
      tpu.wait_dma2 semaphore(%run_scoped3A : memref<!tpu.dma_semaphore, #tpu.memory_space<semaphore_mem>>) src(%dma_wait3A_26 : memref<512xi32, #tpu.memory_space<hbm>>) dst(%arg8 : memref<512xi32, #tpu.memory_space<vmem>>)
      tpu.yield
    }) : () -> ()
    %dma_start3A_17 = arith.constant 0 : i32
    %dma_start3A_18 = arith.constant 0 : i32
    %dma_start3A_19 = tpu.memref_slice %arg4[%dma_start3A_17, %dma_start3A_18] : memref<1024x128xf32, #tpu.memory_space<hbm>> -> memref<1024x128xf32, #tpu.memory_space<hbm>>
    tpu.enqueue_indirect_dma source(%dma_start3A_19 : memref<1024x128xf32, #tpu.memory_space<hbm>>) target(%arg9 : memref<512x128xf32, #tpu.memory_space<vmem>>) offsets(%arg8 : memref<512xi32, #tpu.memory_space<vmem>>) semaphore(%arg10 : memref<!tpu.dma_semaphore, #tpu.memory_space<semaphore_mem>>)
    %dma_wait3A_20 = arith.constant 0 : i32
    %dma_wait3A_21 = arith.constant 0 : i32
    %dma_wait3A_22 = tpu.memref_slice %arg4[%dma_wait3A_20, %dma_wait3A_21] : memref<1024x128xf32, #tpu.memory_space<hbm>> -> memref<1024x128xf32, #tpu.memory_space<hbm>>
    tpu.wait_indirect_dma semaphore(%arg10 : memref<!tpu.dma_semaphore, #tpu.memory_space<semaphore_mem>>) src(%dma_wait3A_22 : memref<1024x128xf32, #tpu.memory_space<hbm>>) dst(%arg9 : memref<512x128xf32, #tpu.memory_space<vmem>>)
    "tpu.region"() ({
      %run_scoped3A = tpu.sem_alloc : memref<!tpu.dma_semaphore, #tpu.memory_space<semaphore_mem>>
      %dma_start3A_23 = arith.constant 0 : i32
      %dma_start3A_24 = tpu.memref_slice %arg7[%mul3A_2, %dma_start3A_23] : memref<16384x128xf32, #tpu.memory_space<hbm>> -> memref<512x128xf32, #tpu.memory_space<hbm>>
      %dma_start3A_25 = arith.constant 0 : i32
      %dma_start3A_26 = tpu.memref_slice %arg7[%mul3A_2, %dma_start3A_25] : memref<16384x128xf32, #tpu.memory_space<hbm>> -> memref<512x128xf32, #tpu.memory_space<hbm>>
      tpu.enqueue_dma source(%arg9 : memref<512x128xf32, #tpu.memory_space<vmem>>) target(%dma_start3A_26 : memref<512x128xf32, #tpu.memory_space<hbm>>) target_semaphore(%run_scoped3A : memref<!tpu.dma_semaphore, #tpu.memory_space<semaphore_mem>>)
      %dma_wait3A_27 = arith.constant 0 : i32
      %dma_wait3A_28 = tpu.memref_slice %arg7[%mul3A_2, %dma_wait3A_27] : memref<16384x128xf32, #tpu.memory_space<hbm>> -> memref<512x128xf32, #tpu.memory_space<hbm>>
      %dma_wait3A_29 = arith.constant 0 : i32
      %dma_wait3A_30 = tpu.memref_slice %arg7[%mul3A_2, %dma_wait3A_29] : memref<16384x128xf32, #tpu.memory_space<hbm>> -> memref<512x128xf32, #tpu.memory_space<hbm>>
      tpu.wait_dma2 semaphore(%run_scoped3A : memref<!tpu.dma_semaphore, #tpu.memory_space<semaphore_mem>>) src(%arg9 : memref<512x128xf32, #tpu.memory_space<vmem>>) dst(%dma_wait3A_30 : memref<512x128xf32, #tpu.memory_space<hbm>>)
      tpu.yield
    }) : () -> ()
    return
  }
}

module attributes {stable_mosaic.version = 14 : i64} {
  func.func @_k1(%arg0: i32, %arg1: memref<1024x128xf32, #tpu.memory_space<vmem>>, %arg2: memref<1024x128xf32, #tpu.memory_space<vmem>>, %arg3: memref<1024x128xf32, #tpu.memory_space<vmem>>, %arg4: memref<1024x19xf32, #tpu.memory_space<vmem>>, %arg5: memref<1024x1xf32, #tpu.memory_space<vmem>>, %arg6: memref<1024x1xf32, #tpu.memory_space<vmem>>, %arg7: memref<64x1024xbf16, #tpu.memory_space<vmem>>, %arg8: memref<128x1024xbf16, #tpu.memory_space<vmem>>, %arg9: memref<1024x128xbf16, #tpu.memory_space<vmem>>, %arg10: memref<19x128xf32, #tpu.memory_space<vmem>>, %arg11: memref<1x128xf32, #tpu.memory_space<vmem>>, %arg12: memref<1x128xf32, #tpu.memory_space<vmem>>, %arg13: memref<256x1024xbf16, #tpu.memory_space<vmem>>, %arg14: memref<1024x256xbf16, #tpu.memory_space<vmem>>, %arg15: memref<1x1024xf32, #tpu.memory_space<vmem>>, %arg16: memref<1x1024xf32, #tpu.memory_space<vmem>>) attributes {dimension_semantics = [#tpu.dimension_semantics<arbitrary>], iteration_bounds = array<i64: 16>, scalar_prefetch = 0 : i64, scratch_operands = 0 : i64, tpu.core_type = #tpu.core_type<tc>, window_params = [{transform_indices = @transform_0, window_bounds = array<i64: 1024, 128>}, {transform_indices = @transform_1, window_bounds = array<i64: 1024, 128>}, {transform_indices = @transform_2, window_bounds = array<i64: 1024, 128>}, {transform_indices = @transform_3, window_bounds = array<i64: 1024, 19>}, {transform_indices = @transform_4, window_bounds = array<i64: 1024, 1>}, {transform_indices = @transform_5, window_bounds = array<i64: 1024, 1>}, {pipeline_mode = #tpu.pipeline_mode<synchronous>, transform_indices = @transform_6, window_bounds = array<i64: 64, 1024>}, {pipeline_mode = #tpu.pipeline_mode<synchronous>, transform_indices = @transform_7, window_bounds = array<i64: 128, 1024>}, {pipeline_mode = #tpu.pipeline_mode<synchronous>, transform_indices = @transform_8, window_bounds = array<i64: 1024, 128>}, {pipeline_mode = #tpu.pipeline_mode<synchronous>, transform_indices = @transform_9, window_bounds = array<i64: 19, 128>}, {pipeline_mode = #tpu.pipeline_mode<synchronous>, transform_indices = @transform_10, window_bounds = array<i64: 1, 128>}, {pipeline_mode = #tpu.pipeline_mode<synchronous>, transform_indices = @transform_11, window_bounds = array<i64: 1, 128>}, {pipeline_mode = #tpu.pipeline_mode<synchronous>, transform_indices = @transform_12, window_bounds = array<i64: 256, 1024>}, {transform_indices = @transform_13, window_bounds = array<i64: 1024, 256>}, {pipeline_mode = #tpu.pipeline_mode<synchronous>, transform_indices = @transform_14, window_bounds = array<i64: 1, 1024>}, {pipeline_mode = #tpu.pipeline_mode<synchronous>, transform_indices = @transform_15, window_bounds = array<i64: 1, 1024>}]} {
    %get3A = arith.constant 0 : index
    %get3A_0 = arith.constant 0 : index
    %get3A_1 = vector.load %arg4[%get3A, %get3A_0] : memref<1024x19xf32, #tpu.memory_space<vmem>>, vector<1024x19xf32>
    %get3A_2 = arith.constant 0 : index
    %get3A_3 = arith.constant 0 : index
    %get3A_4 = vector.load %arg10[%get3A_2, %get3A_3] : memref<19x128xf32, #tpu.memory_space<vmem>>, vector<19x128xf32>
    %dot_general3A = arith.constant dense<0.000000e+00> : vector<1024x128xf32>
    %dot_general3A_5 = tpu.matmul %get3A_1, %get3A_4, %dot_general3A {dimension_numbers = #tpu.dot_dimension_numbers<[1], [0], [0], [1], [0, 0, 1, 1], [], []>, transpose_lhs_hint = false} : vector<1024x19xf32>, vector<19x128xf32>, vector<1024x128xf32> -> vector<1024x128xf32>
    %get3A_6 = arith.constant 0 : index
    %get3A_7 = arith.constant 0 : index
    %get3A_8 = vector.load %arg11[%get3A_6, %get3A_7] : memref<1x128xf32, #tpu.memory_space<vmem>>, vector<1x128xf32>
    %add3A = vector.broadcast %get3A_8 : vector<1x128xf32> to vector<1024x128xf32>
    %add3A_9 = arith.addf %dot_general3A_5, %add3A : vector<1024x128xf32>
    %get3A_10 = arith.constant 0 : index
    %get3A_11 = arith.constant 0 : index
    %get3A_12 = vector.load %arg1[%get3A_10, %get3A_11] : memref<1024x128xf32, #tpu.memory_space<vmem>>, vector<1024x64xf32>
    %convert_element_type3A = arith.truncf %get3A_12 : vector<1024x64xf32> to vector<1024x64xbf16>
    %get3A_13 = arith.constant 0 : index
    %get3A_14 = arith.constant 0 : index
    %get3A_15 = vector.load %arg7[%get3A_13, %get3A_14] : memref<64x1024xbf16, #tpu.memory_space<vmem>>, vector<64x1024xbf16>
    %dot_general3A_16 = arith.constant dense<0.000000e+00> : vector<1024x1024xf32>
    %dot_general3A_17 = tpu.matmul %convert_element_type3A, %get3A_15, %dot_general3A_16 {dimension_numbers = #tpu.dot_dimension_numbers<[1], [0], [0], [1], [0, 0, 1, 1], [], []>, transpose_lhs_hint = false} : vector<1024x64xbf16>, vector<64x1024xbf16>, vector<1024x1024xf32> -> vector<1024x1024xf32>
    %convert_element_type3A_18 = arith.truncf %add3A_9 : vector<1024x128xf32> to vector<1024x128xbf16>
    %get3A_19 = arith.constant 0 : index
    %get3A_20 = arith.constant 0 : index
    %get3A_21 = vector.load %arg8[%get3A_19, %get3A_20] : memref<128x1024xbf16, #tpu.memory_space<vmem>>, vector<128x1024xbf16>
    %dot_general3A_22 = arith.constant dense<0.000000e+00> : vector<1024x1024xf32>
    %dot_general3A_23 = tpu.matmul %convert_element_type3A_18, %get3A_21, %dot_general3A_22 {dimension_numbers = #tpu.dot_dimension_numbers<[1], [0], [0], [1], [0, 0, 1, 1], [], []>, transpose_lhs_hint = false} : vector<1024x128xbf16>, vector<128x1024xbf16>, vector<1024x1024xf32> -> vector<1024x1024xf32>
    %mul3A = arith.mulf %dot_general3A_17, %dot_general3A_23 : vector<1024x1024xf32>
    %convert_element_type3A_24 = arith.truncf %mul3A : vector<1024x1024xf32> to vector<1024x1024xbf16>
    %get3A_25 = arith.constant 0 : index
    %get3A_26 = arith.constant 0 : index
    %get3A_27 = vector.load %arg9[%get3A_25, %get3A_26] : memref<1024x128xbf16, #tpu.memory_space<vmem>>, vector<1024x128xbf16>
    %dot_general3A_28 = arith.constant dense<0.000000e+00> : vector<1024x128xf32>
    %dot_general3A_29 = tpu.matmul %convert_element_type3A_24, %get3A_27, %dot_general3A_28 {dimension_numbers = #tpu.dot_dimension_numbers<[1], [0], [0], [1], [0, 0, 1, 1], [], []>, transpose_lhs_hint = false} : vector<1024x1024xbf16>, vector<1024x128xbf16>, vector<1024x128xf32> -> vector<1024x128xf32>
    %get3A_30 = arith.constant 0 : index
    %get3A_31 = arith.constant 0 : index
    %get3A_32 = vector.load %arg12[%get3A_30, %get3A_31] : memref<1x128xf32, #tpu.memory_space<vmem>>, vector<1x128xf32>
    %add3A_33 = vector.broadcast %get3A_32 : vector<1x128xf32> to vector<1024x128xf32>
    %add3A_34 = arith.addf %dot_general3A_29, %add3A_33 : vector<1024x128xf32>
    %get3A_35 = arith.constant 0 : index
    %get3A_36 = arith.constant 0 : index
    %get3A_37 = vector.load %arg5[%get3A_35, %get3A_36] : memref<1024x1xf32, #tpu.memory_space<vmem>>, vector<1024x1xf32>
    %convert_element_type3A_38 = arith.truncf %get3A_37 : vector<1024x1xf32> to vector<1024x1xbf16>
    %convert_element_type3A_39 = arith.extf %convert_element_type3A_38 : vector<1024x1xbf16> to vector<1024x1xf32>
    %sub3A = arith.subf %get3A_37, %convert_element_type3A_39 : vector<1024x1xf32>
    %get3A_40 = arith.constant 0 : index
    %get3A_41 = arith.constant 0 : index
    %get3A_42 = vector.load %arg6[%get3A_40, %get3A_41] : memref<1024x1xf32, #tpu.memory_space<vmem>>, vector<1024x1xf32>
    %broadcast_in_dim3A = arith.constant 0.000000e+00 : f32
    %broadcast_in_dim3A_43 = vector.broadcast %broadcast_in_dim3A : f32 to vector<1024x96xf32>
    %broadcast_in_dim3A_44 = arith.constant 0.000000e+00 : f32
    %broadcast_in_dim3A_45 = vector.broadcast %broadcast_in_dim3A_44 : f32 to vector<1024x29xf32>
    %concatenate3A = tpu.concatenate %broadcast_in_dim3A_43, %convert_element_type3A_39, %sub3A, %get3A_42, %broadcast_in_dim3A_45 in 1 : vector<1024x96xf32>, vector<1024x1xf32>, vector<1024x1xf32>, vector<1024x1xf32>, vector<1024x29xf32> -> vector<1024x128xf32>
    %get3A_46 = arith.constant 0 : index
    %get3A_47 = arith.constant 0 : index
    %get3A_48 = vector.load %arg3[%get3A_46, %get3A_47] : memref<1024x128xf32, #tpu.memory_space<vmem>>, vector<1024x128xf32>
    %add3A_49 = arith.addf %get3A_48, %add3A_9 : vector<1024x128xf32>
    %add3A_50 = arith.addf %add3A_49, %add3A_34 : vector<1024x128xf32>
    %add3A_51 = arith.addf %add3A_50, %concatenate3A : vector<1024x128xf32>
    %get3A_52 = arith.constant 0 : index
    %get3A_53 = arith.constant 64 : index
    %get3A_54 = vector.load %arg2[%get3A_52, %get3A_53] : memref<1024x128xf32, #tpu.memory_space<vmem>>, vector<1024x64xf32>
    %concatenate3A_55 = tpu.concatenate %get3A_12, %get3A_54, %add3A_51 in 1 : vector<1024x64xf32>, vector<1024x64xf32>, vector<1024x128xf32> -> vector<1024x256xf32>
    %convert_element_type3A_56 = arith.truncf %concatenate3A_55 : vector<1024x256xf32> to vector<1024x256xbf16>
    %swap3A = arith.constant 0 : index
    %swap3A_57 = arith.constant 0 : index
    %swap3A_58 = vector.load %arg14[%swap3A, %swap3A_57] : memref<1024x256xbf16, #tpu.memory_space<vmem>>, vector<1024x256xbf16>
    tpu.vector_store %arg14[%swap3A, %swap3A_57], %convert_element_type3A_56 {strides = array<i32>} : memref<1024x256xbf16, #tpu.memory_space<vmem>>, vector<1024x256xbf16>,
    %get3A_59 = arith.constant 0 : index
    %get3A_60 = arith.constant 0 : index
    %get3A_61 = vector.load %arg13[%get3A_59, %get3A_60] : memref<256x1024xbf16, #tpu.memory_space<vmem>>, vector<256x1024xbf16>
    %dot_general3A_62 = arith.constant dense<0.000000e+00> : vector<1024x1024xf32>
    %dot_general3A_63 = tpu.matmul %convert_element_type3A_56, %get3A_61, %dot_general3A_62 {dimension_numbers = #tpu.dot_dimension_numbers<[1], [0], [0], [1], [0, 0, 1, 1], [], []>, transpose_lhs_hint = false} : vector<1024x256xbf16>, vector<256x1024xbf16>, vector<1024x1024xf32> -> vector<1024x1024xf32>
    %eq3A = arith.constant 0 : i32
    %eq3A_64 = arith.cmpi eq, %arg0, %eq3A : i32
    %convert_element_type3A_65 = arith.extui %eq3A_64 : i1 to i32
    %cond3A = arith.constant 0 : i32
    %cond3A_66 = arith.cmpi ne, %convert_element_type3A_65, %cond3A : i32
    scf.if %cond3A_66 {
      %broadcast_in_dim3A_87 = arith.constant 0.000000e+00 : f32
      %broadcast_in_dim3A_88 = vector.broadcast %broadcast_in_dim3A_87 : f32 to vector<1x1024xf32>
      %swap3A_89 = arith.constant 0 : index
      %swap3A_90 = arith.constant 0 : index
      %swap3A_91 = vector.load %arg15[%swap3A_89, %swap3A_90] : memref<1x1024xf32, #tpu.memory_space<vmem>>, vector<1x1024xf32>
      tpu.vector_store %arg15[%swap3A_89, %swap3A_90], %broadcast_in_dim3A_88 {strides = array<i32>} : memref<1x1024xf32, #tpu.memory_space<vmem>>, vector<1x1024xf32>,
      %broadcast_in_dim3A_92 = arith.constant 0.000000e+00 : f32
      %broadcast_in_dim3A_93 = vector.broadcast %broadcast_in_dim3A_92 : f32 to vector<1x1024xf32>
      %swap3A_94 = arith.constant 0 : index
      %swap3A_95 = arith.constant 0 : index
      %swap3A_96 = vector.load %arg16[%swap3A_94, %swap3A_95] : memref<1x1024xf32, #tpu.memory_space<vmem>>, vector<1x1024xf32>
      tpu.vector_store %arg16[%swap3A_94, %swap3A_95], %broadcast_in_dim3A_93 {strides = array<i32>} : memref<1x1024xf32, #tpu.memory_space<vmem>>, vector<1x1024xf32>,
    } else {
    }
    %get3A_67 = arith.constant 0 : index
    %get3A_68 = arith.constant 0 : index
    %get3A_69 = vector.load %arg15[%get3A_67, %get3A_68] : memref<1x1024xf32, #tpu.memory_space<vmem>>, vector<1x1024xf32>
    %reduce_sum3A = arith.constant dense<0.000000e+00> : vector<1024xf32>
    %reduce_sum3A_70 = vector.multi_reduction <add>, %dot_general3A_63, %reduce_sum3A [0] : vector<1024x1024xf32> to vector<1024xf32>
    %broadcast_in_dim3A_71 = vector.shape_cast %reduce_sum3A_70 : vector<1024xf32> to vector<1x1024xf32>
    %add3A_72 = arith.addf %get3A_69, %broadcast_in_dim3A_71 : vector<1x1024xf32>
    %swap3A_73 = arith.constant 0 : index
    %swap3A_74 = arith.constant 0 : index
    %swap3A_75 = vector.load %arg15[%swap3A_73, %swap3A_74] : memref<1x1024xf32, #tpu.memory_space<vmem>>, vector<1x1024xf32>
    tpu.vector_store %arg15[%swap3A_73, %swap3A_74], %add3A_72 {strides = array<i32>} : memref<1x1024xf32, #tpu.memory_space<vmem>>, vector<1x1024xf32>,
    %get3A_76 = arith.constant 0 : index
    %get3A_77 = arith.constant 0 : index
    %get3A_78 = vector.load %arg16[%get3A_76, %get3A_77] : memref<1x1024xf32, #tpu.memory_space<vmem>>, vector<1x1024xf32>
    %mul3A_79 = arith.mulf %dot_general3A_63, %dot_general3A_63 : vector<1024x1024xf32>
    %reduce_sum3A_80 = arith.constant dense<0.000000e+00> : vector<1024xf32>
    %reduce_sum3A_81 = vector.multi_reduction <add>, %mul3A_79, %reduce_sum3A_80 [0] : vector<1024x1024xf32> to vector<1024xf32>
    %broadcast_in_dim3A_82 = vector.shape_cast %reduce_sum3A_81 : vector<1024xf32> to vector<1x1024xf32>
    %add3A_83 = arith.addf %get3A_78, %broadcast_in_dim3A_82 : vector<1x1024xf32>
    %swap3A_84 = arith.constant 0 : index
    %swap3A_85 = arith.constant 0 : index
    %swap3A_86 = vector.load %arg16[%swap3A_84, %swap3A_85] : memref<1x1024xf32, #tpu.memory_space<vmem>>, vector<1x1024xf32>
    tpu.vector_store %arg16[%swap3A_84, %swap3A_85], %add3A_83 {strides = array<i32>} : memref<1x1024xf32, #tpu.memory_space<vmem>>, vector<1x1024xf32>,
    return
  }
  func.func @transform_0(%arg0: i32) -> (i32, i32) {
    %c0_i32 = arith.constant 0 : i32
    %c0_i32_0 = arith.constant 0 : i32
    return %arg0, %c0_i32 : i32, i32
  }
  func.func @transform_1(%arg0: i32) -> (i32, i32) {
    %c0_i32 = arith.constant 0 : i32
    %c0_i32_0 = arith.constant 0 : i32
    return %arg0, %c0_i32 : i32, i32
  }
  func.func @transform_2(%arg0: i32) -> (i32, i32) {
    %c0_i32 = arith.constant 0 : i32
    %c0_i32_0 = arith.constant 0 : i32
    return %arg0, %c0_i32 : i32, i32
  }
  func.func @transform_3(%arg0: i32) -> (i32, i32) {
    %c0_i32 = arith.constant 0 : i32
    %c0_i32_0 = arith.constant 0 : i32
    return %arg0, %c0_i32 : i32, i32
  }
  func.func @transform_4(%arg0: i32) -> (i32, i32) {
    %c0_i32 = arith.constant 0 : i32
    %c0_i32_0 = arith.constant 0 : i32
    return %arg0, %c0_i32 : i32, i32
  }
  func.func @transform_5(%arg0: i32) -> (i32, i32) {
    %c0_i32 = arith.constant 0 : i32
    %c0_i32_0 = arith.constant 0 : i32
    return %arg0, %c0_i32 : i32, i32
  }
  func.func @transform_6(%arg0: i32) -> (i32, i32) {
    %c0_i32 = arith.constant 0 : i32
    %c0_i32_0 = arith.constant 0 : i32
    %c0_i32_1 = arith.constant 0 : i32
    return %c0_i32, %c0_i32_0 : i32, i32
  }
  func.func @transform_7(%arg0: i32) -> (i32, i32) {
    %c0_i32 = arith.constant 0 : i32
    %c0_i32_0 = arith.constant 0 : i32
    %c0_i32_1 = arith.constant 0 : i32
    return %c0_i32, %c0_i32_0 : i32, i32
  }
  func.func @transform_8(%arg0: i32) -> (i32, i32) {
    %c0_i32 = arith.constant 0 : i32
    %c0_i32_0 = arith.constant 0 : i32
    %c0_i32_1 = arith.constant 0 : i32
    return %c0_i32, %c0_i32_0 : i32, i32
  }
  func.func @transform_9(%arg0: i32) -> (i32, i32) {
    %c0_i32 = arith.constant 0 : i32
    %c0_i32_0 = arith.constant 0 : i32
    %c0_i32_1 = arith.constant 0 : i32
    return %c0_i32, %c0_i32_0 : i32, i32
  }
  func.func @transform_10(%arg0: i32) -> (i32, i32) {
    %c0_i32 = arith.constant 0 : i32
    %c0_i32_0 = arith.constant 0 : i32
    %c0_i32_1 = arith.constant 0 : i32
    return %c0_i32, %c0_i32_0 : i32, i32
  }
  func.func @transform_11(%arg0: i32) -> (i32, i32) {
    %c0_i32 = arith.constant 0 : i32
    %c0_i32_0 = arith.constant 0 : i32
    %c0_i32_1 = arith.constant 0 : i32
    return %c0_i32, %c0_i32_0 : i32, i32
  }
  func.func @transform_12(%arg0: i32) -> (i32, i32) {
    %c0_i32 = arith.constant 0 : i32
    %c0_i32_0 = arith.constant 0 : i32
    %c0_i32_1 = arith.constant 0 : i32
    return %c0_i32, %c0_i32_0 : i32, i32
  }
  func.func @transform_13(%arg0: i32) -> (i32, i32) {
    %c0_i32 = arith.constant 0 : i32
    %c0_i32_0 = arith.constant 0 : i32
    return %arg0, %c0_i32 : i32, i32
  }
  func.func @transform_14(%arg0: i32) -> (i32, i32) {
    %c0_i32 = arith.constant 0 : i32
    %c0_i32_0 = arith.constant 0 : i32
    %c0_i32_1 = arith.constant 0 : i32
    return %c0_i32, %c0_i32_0 : i32, i32
  }
  func.func @transform_15(%arg0: i32) -> (i32, i32) {
    %c0_i32 = arith.constant 0 : i32
    %c0_i32_0 = arith.constant 0 : i32
    %c0_i32_1 = arith.constant 0 : i32
    return %c0_i32, %c0_i32_0 : i32, i32
  }
}

module attributes {stable_mosaic.version = 14 : i64} {
  func.func @_k2(%arg0: i32, %arg1: memref<1024x256xbf16, #tpu.memory_space<vmem>>, %arg2: memref<1x1024xf32, #tpu.memory_space<vmem>>, %arg3: memref<1x1024xf32, #tpu.memory_space<vmem>>, %arg4: memref<1x1024xf32, #tpu.memory_space<vmem>>, %arg5: memref<1x1024xf32, #tpu.memory_space<vmem>>, %arg6: memref<256x1024xbf16, #tpu.memory_space<vmem>>, %arg7: memref<256x1024xbf16, #tpu.memory_space<vmem>>, %arg8: memref<1x1024xf32, #tpu.memory_space<vmem>>, %arg9: memref<1024x1024xf32, #tpu.memory_space<vmem>>, %arg10: memref<1024x1024xbf16, #tpu.memory_space<vmem>>, %arg11: memref<1024x1024xbf16, #tpu.memory_space<vmem>>, %arg12: memref<1x1024xf32, #tpu.memory_space<vmem>>, %arg13: memref<1x1024xf32, #tpu.memory_space<vmem>>, %arg14: memref<1024x1024xbf16, #tpu.memory_space<vmem>>) attributes {dimension_semantics = [#tpu.dimension_semantics<arbitrary>], iteration_bounds = array<i64: 16>, scalar_prefetch = 0 : i64, scratch_operands = 1 : i64, tpu.core_type = #tpu.core_type<tc>, window_params = [{transform_indices = @transform_0, window_bounds = array<i64: 1024, 256>}, {pipeline_mode = #tpu.pipeline_mode<synchronous>, transform_indices = @transform_1, window_bounds = array<i64: 1, 1024>}, {pipeline_mode = #tpu.pipeline_mode<synchronous>, transform_indices = @transform_2, window_bounds = array<i64: 1, 1024>}, {pipeline_mode = #tpu.pipeline_mode<synchronous>, transform_indices = @transform_3, window_bounds = array<i64: 1, 1024>}, {pipeline_mode = #tpu.pipeline_mode<synchronous>, transform_indices = @transform_4, window_bounds = array<i64: 1, 1024>}, {pipeline_mode = #tpu.pipeline_mode<synchronous>, transform_indices = @transform_5, window_bounds = array<i64: 256, 1024>}, {pipeline_mode = #tpu.pipeline_mode<synchronous>, transform_indices = @transform_6, window_bounds = array<i64: 256, 1024>}, {pipeline_mode = #tpu.pipeline_mode<synchronous>, transform_indices = @transform_7, window_bounds = array<i64: 1, 1024>}, {pipeline_mode = #tpu.pipeline_mode<synchronous>, transform_indices = @transform_8, window_bounds = array<i64: 1024, 1024>}, {transform_indices = @transform_9, window_bounds = array<i64: 1024, 1024>}, {transform_indices = @transform_10, window_bounds = array<i64: 1024, 1024>}, {pipeline_mode = #tpu.pipeline_mode<synchronous>, transform_indices = @transform_11, window_bounds = array<i64: 1, 1024>}, {pipeline_mode = #tpu.pipeline_mode<synchronous>, transform_indices = @transform_12, window_bounds = array<i64: 1, 1024>}]} {
    %eq3A = arith.constant 0 : i32
    %eq3A_0 = arith.cmpi eq, %arg0, %eq3A : i32
    %convert_element_type3A = arith.extui %eq3A_0 : i1 to i32
    %cond3A = arith.constant 0 : i32
    %cond3A_1 = arith.cmpi ne, %convert_element_type3A, %cond3A : i32
    scf.if %cond3A_1 {
      %get3A_80 = arith.constant 0 : index
      %get3A_81 = arith.constant 0 : index
      %get3A_82 = vector.load %arg9[%get3A_80, %get3A_81] : memref<1024x1024xf32, #tpu.memory_space<vmem>>, vector<1024x1024xf32>
      %convert_element_type3A_83 = arith.truncf %get3A_82 : vector<1024x1024xf32> to vector<1024x1024xbf16>
      %swap3A_84 = arith.constant 0 : index
      %swap3A_85 = arith.constant 0 : index
      %swap3A_86 = vector.load %arg14[%swap3A_84, %swap3A_85] : memref<1024x1024xbf16, #tpu.memory_space<vmem>>, vector<1024x1024xbf16>
      tpu.vector_store %arg14[%swap3A_84, %swap3A_85], %convert_element_type3A_83 {strides = array<i32>} : memref<1024x1024xbf16, #tpu.memory_space<vmem>>, vector<1024x1024xbf16>,
      %broadcast_in_dim3A_87 = arith.constant 0.000000e+00 : f32
      %broadcast_in_dim3A_88 = vector.broadcast %broadcast_in_dim3A_87 : f32 to vector<1x1024xf32>
      %swap3A_89 = arith.constant 0 : index
      %swap3A_90 = arith.constant 0 : index
      %swap3A_91 = vector.load %arg12[%swap3A_89, %swap3A_90] : memref<1x1024xf32, #tpu.memory_space<vmem>>, vector<1x1024xf32>
      tpu.vector_store %arg12[%swap3A_89, %swap3A_90], %broadcast_in_dim3A_88 {strides = array<i32>} : memref<1x1024xf32, #tpu.memory_space<vmem>>, vector<1x1024xf32>,
      %broadcast_in_dim3A_92 = arith.constant 0.000000e+00 : f32
      %broadcast_in_dim3A_93 = vector.broadcast %broadcast_in_dim3A_92 : f32 to vector<1x1024xf32>
      %swap3A_94 = arith.constant 0 : index
      %swap3A_95 = arith.constant 0 : index
      %swap3A_96 = vector.load %arg13[%swap3A_94, %swap3A_95] : memref<1x1024xf32, #tpu.memory_space<vmem>>, vector<1x1024xf32>
      tpu.vector_store %arg13[%swap3A_94, %swap3A_95], %broadcast_in_dim3A_93 {strides = array<i32>} : memref<1x1024xf32, #tpu.memory_space<vmem>>, vector<1x1024xf32>,
    } else {
    }
    %get3A = arith.constant 0 : index
    %get3A_2 = arith.constant 0 : index
    %get3A_3 = vector.load %arg2[%get3A, %get3A_2] : memref<1x1024xf32, #tpu.memory_space<vmem>>, vector<1x1024xf32>
    %mul3A = arith.constant 6.10351563E-5 : f32
    %mul3A_4 = vector.broadcast %mul3A : f32 to vector<1x1024xf32>
    %mul3A_5 = arith.mulf %get3A_3, %mul3A_4 : vector<1x1024xf32>
    %get3A_6 = arith.constant 0 : index
    %get3A_7 = arith.constant 0 : index
    %get3A_8 = vector.load %arg3[%get3A_6, %get3A_7] : memref<1x1024xf32, #tpu.memory_space<vmem>>, vector<1x1024xf32>
    %mul3A_9 = arith.constant 6.10351563E-5 : f32
    %mul3A_10 = vector.broadcast %mul3A_9 : f32 to vector<1x1024xf32>
    %mul3A_11 = arith.mulf %get3A_8, %mul3A_10 : vector<1x1024xf32>
    %mul3A_12 = arith.mulf %mul3A_5, %mul3A_5 : vector<1x1024xf32>
    %sub3A = arith.subf %mul3A_11, %mul3A_12 : vector<1x1024xf32>
    %add3A = arith.constant 9.99999974E-6 : f32
    %add3A_13 = vector.broadcast %add3A : f32 to vector<1x1024xf32>
    %add3A_14 = arith.addf %sub3A, %add3A_13 : vector<1x1024xf32>
    %rsqrt3A = math.rsqrt %add3A_14 : vector<1x1024xf32>
    %get3A_15 = arith.constant 0 : index
    %get3A_16 = arith.constant 0 : index
    %get3A_17 = vector.load %arg4[%get3A_15, %get3A_16] : memref<1x1024xf32, #tpu.memory_space<vmem>>, vector<1x1024xf32>
    %mul3A_18 = arith.mulf %rsqrt3A, %get3A_17 : vector<1x1024xf32>
    %get3A_19 = arith.constant 0 : index
    %get3A_20 = arith.constant 0 : index
    %get3A_21 = vector.load %arg5[%get3A_19, %get3A_20] : memref<1x1024xf32, #tpu.memory_space<vmem>>, vector<1x1024xf32>
    %mul3A_22 = arith.mulf %mul3A_5, %mul3A_18 : vector<1x1024xf32>
    %sub3A_23 = arith.subf %get3A_21, %mul3A_22 : vector<1x1024xf32>
    %get3A_24 = arith.constant 0 : index
    %get3A_25 = arith.constant 0 : index
    %get3A_26 = vector.load %arg1[%get3A_24, %get3A_25] : memref<1024x256xbf16, #tpu.memory_space<vmem>>, vector<1024x256xbf16>
    %get3A_27 = arith.constant 0 : index
    %get3A_28 = arith.constant 0 : index
    %get3A_29 = vector.load %arg6[%get3A_27, %get3A_28] : memref<256x1024xbf16, #tpu.memory_space<vmem>>, vector<256x1024xbf16>
    %dot_general3A = arith.constant dense<0.000000e+00> : vector<1024x1024xf32>
    %dot_general3A_30 = tpu.matmul %get3A_26, %get3A_29, %dot_general3A {dimension_numbers = #tpu.dot_dimension_numbers<[1], [0], [0], [1], [0, 0, 1, 1], [], []>, transpose_lhs_hint = false} : vector<1024x256xbf16>, vector<256x1024xbf16>, vector<1024x1024xf32> -> vector<1024x1024xf32>
    %get3A_31 = arith.constant 0 : index
    %get3A_32 = arith.constant 0 : index
    %get3A_33 = vector.load %arg7[%get3A_31, %get3A_32] : memref<256x1024xbf16, #tpu.memory_space<vmem>>, vector<256x1024xbf16>
    %dot_general3A_34 = arith.constant dense<0.000000e+00> : vector<1024x1024xf32>
    %dot_general3A_35 = tpu.matmul %get3A_26, %get3A_33, %dot_general3A_34 {dimension_numbers = #tpu.dot_dimension_numbers<[1], [0], [0], [1], [0, 0, 1, 1], [], []>, transpose_lhs_hint = false} : vector<1024x256xbf16>, vector<256x1024xbf16>, vector<1024x1024xf32> -> vector<1024x1024xf32>
    %get3A_36 = arith.constant 0 : index
    %get3A_37 = arith.constant 0 : index
    %get3A_38 = vector.load %arg8[%get3A_36, %get3A_37] : memref<1x1024xf32, #tpu.memory_space<vmem>>, vector<1x1024xf32>
    %add3A_39 = vector.broadcast %get3A_38 : vector<1x1024xf32> to vector<1024x1024xf32>
    %add3A_40 = arith.addf %dot_general3A_35, %add3A_39 : vector<1024x1024xf32>
    %mul3A_41 = vector.broadcast %mul3A_18 : vector<1x1024xf32> to vector<1024x1024xf32>
    %mul3A_42 = arith.mulf %dot_general3A_30, %mul3A_41 : vector<1024x1024xf32>
    %add3A_43 = vector.broadcast %sub3A_23 : vector<1x1024xf32> to vector<1024x1024xf32>
    %add3A_44 = arith.addf %mul3A_42, %add3A_43 : vector<1024x1024xf32>
    %max3A = arith.constant 0.000000e+00 : f32
    %max3A_45 = vector.broadcast %max3A : f32 to vector<1024x1024xf32>
    %max3A_46 = arith.maximumf %add3A_44, %max3A_45 : vector<1024x1024xf32>
    %add3A_47 = arith.addf %max3A_46, %add3A_40 : vector<1024x1024xf32>
    %convert_element_type3A_48 = arith.truncf %add3A_47 : vector<1024x1024xf32> to vector<1024x1024xbf16>
    %swap3A = arith.constant 0 : index
    %swap3A_49 = arith.constant 0 : index
    %swap3A_50 = vector.load %arg10[%swap3A, %swap3A_49] : memref<1024x1024xbf16, #tpu.memory_space<vmem>>, vector<1024x1024xbf16>
    tpu.vector_store %arg10[%swap3A, %swap3A_49], %convert_element_type3A_48 {strides = array<i32>} : memref<1024x1024xbf16, #tpu.memory_space<vmem>>, vector<1024x1024xbf16>,
    %get3A_51 = arith.constant 0 : index
    %get3A_52 = arith.constant 0 : index
    %get3A_53 = vector.load %arg14[%get3A_51, %get3A_52] : memref<1024x1024xbf16, #tpu.memory_space<vmem>>, vector<1024x1024xbf16>
    %dot_general3A_54 = arith.constant dense<0.000000e+00> : vector<1024x1024xf32>
    %dot_general3A_55 = tpu.matmul %convert_element_type3A_48, %get3A_53, %dot_general3A_54 {dimension_numbers = #tpu.dot_dimension_numbers<[1], [0], [0], [1], [0, 0, 1, 1], [], []>, transpose_lhs_hint = false} : vector<1024x1024xbf16>, vector<1024x1024xbf16>, vector<1024x1024xf32> -> vector<1024x1024xf32>
    %convert_element_type3A_56 = arith.truncf %dot_general3A_55 : vector<1024x1024xf32> to vector<1024x1024xbf16>
    %swap3A_57 = arith.constant 0 : index
    %swap3A_58 = arith.constant 0 : index
    %swap3A_59 = vector.load %arg11[%swap3A_57, %swap3A_58] : memref<1024x1024xbf16, #tpu.memory_space<vmem>>, vector<1024x1024xbf16>
    tpu.vector_store %arg11[%swap3A_57, %swap3A_58], %convert_element_type3A_56 {strides = array<i32>} : memref<1024x1024xbf16, #tpu.memory_space<vmem>>, vector<1024x1024xbf16>,
    %convert_element_type3A_60 = arith.extf %convert_element_type3A_56 : vector<1024x1024xbf16> to vector<1024x1024xf32>
    %get3A_61 = arith.constant 0 : index
    %get3A_62 = arith.constant 0 : index
    %get3A_63 = vector.load %arg12[%get3A_61, %get3A_62] : memref<1x1024xf32, #tpu.memory_space<vmem>>, vector<1x1024xf32>
    %reduce_sum3A = arith.constant dense<0.000000e+00> : vector<1024xf32>
    %reduce_sum3A_64 = vector.multi_reduction <add>, %convert_element_type3A_60, %reduce_sum3A [0] : vector<1024x1024xf32> to vector<1024xf32>
    %broadcast_in_dim3A = vector.shape_cast %reduce_sum3A_64 : vector<1024xf32> to vector<1x1024xf32>
    %add3A_65 = arith.addf %get3A_63, %broadcast_in_dim3A : vector<1x1024xf32>
    %swap3A_66 = arith.constant 0 : index
    %swap3A_67 = arith.constant 0 : index
    %swap3A_68 = vector.load %arg12[%swap3A_66, %swap3A_67] : memref<1x1024xf32, #tpu.memory_space<vmem>>, vector<1x1024xf32>
    tpu.vector_store %arg12[%swap3A_66, %swap3A_67], %add3A_65 {strides = array<i32>} : memref<1x1024xf32, #tpu.memory_space<vmem>>, vector<1x1024xf32>,
    %get3A_69 = arith.constant 0 : index
    %get3A_70 = arith.constant 0 : index
    %get3A_71 = vector.load %arg13[%get3A_69, %get3A_70] : memref<1x1024xf32, #tpu.memory_space<vmem>>, vector<1x1024xf32>
    %mul3A_72 = arith.mulf %convert_element_type3A_60, %convert_element_type3A_60 : vector<1024x1024xf32>
    %reduce_sum3A_73 = arith.constant dense<0.000000e+00> : vector<1024xf32>
    %reduce_sum3A_74 = vector.multi_reduction <add>, %mul3A_72, %reduce_sum3A_73 [0] : vector<1024x1024xf32> to vector<1024xf32>
    %broadcast_in_dim3A_75 = vector.shape_cast %reduce_sum3A_74 : vector<1024xf32> to vector<1x1024xf32>
    %add3A_76 = arith.addf %get3A_71, %broadcast_in_dim3A_75 : vector<1x1024xf32>
    %swap3A_77 = arith.constant 0 : index
    %swap3A_78 = arith.constant 0 : index
    %swap3A_79 = vector.load %arg13[%swap3A_77, %swap3A_78] : memref<1x1024xf32, #tpu.memory_space<vmem>>, vector<1x1024xf32>
    tpu.vector_store %arg13[%swap3A_77, %swap3A_78], %add3A_76 {strides = array<i32>} : memref<1x1024xf32, #tpu.memory_space<vmem>>, vector<1x1024xf32>,
    return
  }
  func.func @transform_0(%arg0: i32) -> (i32, i32) {
    %c0_i32 = arith.constant 0 : i32
    %c0_i32_0 = arith.constant 0 : i32
    return %arg0, %c0_i32 : i32, i32
  }
  func.func @transform_1(%arg0: i32) -> (i32, i32) {
    %c0_i32 = arith.constant 0 : i32
    %c0_i32_0 = arith.constant 0 : i32
    %c0_i32_1 = arith.constant 0 : i32
    return %c0_i32, %c0_i32_0 : i32, i32
  }
  func.func @transform_2(%arg0: i32) -> (i32, i32) {
    %c0_i32 = arith.constant 0 : i32
    %c0_i32_0 = arith.constant 0 : i32
    %c0_i32_1 = arith.constant 0 : i32
    return %c0_i32, %c0_i32_0 : i32, i32
  }
  func.func @transform_3(%arg0: i32) -> (i32, i32) {
    %c0_i32 = arith.constant 0 : i32
    %c0_i32_0 = arith.constant 0 : i32
    %c0_i32_1 = arith.constant 0 : i32
    return %c0_i32, %c0_i32_0 : i32, i32
  }
  func.func @transform_4(%arg0: i32) -> (i32, i32) {
    %c0_i32 = arith.constant 0 : i32
    %c0_i32_0 = arith.constant 0 : i32
    %c0_i32_1 = arith.constant 0 : i32
    return %c0_i32, %c0_i32_0 : i32, i32
  }
  func.func @transform_5(%arg0: i32) -> (i32, i32) {
    %c0_i32 = arith.constant 0 : i32
    %c0_i32_0 = arith.constant 0 : i32
    %c0_i32_1 = arith.constant 0 : i32
    return %c0_i32, %c0_i32_0 : i32, i32
  }
  func.func @transform_6(%arg0: i32) -> (i32, i32) {
    %c0_i32 = arith.constant 0 : i32
    %c0_i32_0 = arith.constant 0 : i32
    %c0_i32_1 = arith.constant 0 : i32
    return %c0_i32, %c0_i32_0 : i32, i32
  }
  func.func @transform_7(%arg0: i32) -> (i32, i32) {
    %c0_i32 = arith.constant 0 : i32
    %c0_i32_0 = arith.constant 0 : i32
    %c0_i32_1 = arith.constant 0 : i32
    return %c0_i32, %c0_i32_0 : i32, i32
  }
  func.func @transform_8(%arg0: i32) -> (i32, i32) {
    %c0_i32 = arith.constant 0 : i32
    %c0_i32_0 = arith.constant 0 : i32
    %c0_i32_1 = arith.constant 0 : i32
    return %c0_i32, %c0_i32_0 : i32, i32
  }
  func.func @transform_9(%arg0: i32) -> (i32, i32) {
    %c0_i32 = arith.constant 0 : i32
    %c0_i32_0 = arith.constant 0 : i32
    return %arg0, %c0_i32 : i32, i32
  }
  func.func @transform_10(%arg0: i32) -> (i32, i32) {
    %c0_i32 = arith.constant 0 : i32
    %c0_i32_0 = arith.constant 0 : i32
    return %arg0, %c0_i32 : i32, i32
  }
  func.func @transform_11(%arg0: i32) -> (i32, i32) {
    %c0_i32 = arith.constant 0 : i32
    %c0_i32_0 = arith.constant 0 : i32
    %c0_i32_1 = arith.constant 0 : i32
    return %c0_i32, %c0_i32_0 : i32, i32
  }
  func.func @transform_12(%arg0: i32) -> (i32, i32) {
    %c0_i32 = arith.constant 0 : i32
    %c0_i32_0 = arith.constant 0 : i32
    %c0_i32_1 = arith.constant 0 : i32
    return %c0_i32, %c0_i32_0 : i32, i32
  }
}

module attributes {stable_mosaic.version = 14 : i64} {
  func.func @_k3(%arg0: i32, %arg1: memref<1024x1024xbf16, #tpu.memory_space<vmem>>, %arg2: memref<1024x1024xbf16, #tpu.memory_space<vmem>>, %arg3: memref<1x1024xf32, #tpu.memory_space<vmem>>, %arg4: memref<1x1024xf32, #tpu.memory_space<vmem>>, %arg5: memref<1x1024xf32, #tpu.memory_space<vmem>>, %arg6: memref<1x1024xf32, #tpu.memory_space<vmem>>, %arg7: memref<1024x512xf32, #tpu.memory_space<vmem>>, %arg8: memref<1024x512xf32, #tpu.memory_space<vmem>>, %arg9: memref<1x512xf32, #tpu.memory_space<vmem>>, %arg10: memref<1x512xf32, #tpu.memory_space<vmem>>, %arg11: memref<1024x512xbf16, #tpu.memory_space<vmem>>, %arg12: memref<1024x1xf32, #tpu.memory_space<vmem>>, %arg13: memref<1x512xf32, #tpu.memory_space<vmem>>, %arg14: memref<1x512xf32, #tpu.memory_space<vmem>>, %arg15: memref<1024x512xbf16, #tpu.memory_space<vmem>>, %arg16: memref<1024x512xbf16, #tpu.memory_space<vmem>>) attributes {dimension_semantics = [#tpu.dimension_semantics<arbitrary>], iteration_bounds = array<i64: 16>, scalar_prefetch = 0 : i64, scratch_operands = 2 : i64, tpu.core_type = #tpu.core_type<tc>, window_params = [{transform_indices = @transform_0, window_bounds = array<i64: 1024, 1024>}, {transform_indices = @transform_1, window_bounds = array<i64: 1024, 1024>}, {pipeline_mode = #tpu.pipeline_mode<synchronous>, transform_indices = @transform_2, window_bounds = array<i64: 1, 1024>}, {pipeline_mode = #tpu.pipeline_mode<synchronous>, transform_indices = @transform_3, window_bounds = array<i64: 1, 1024>}, {pipeline_mode = #tpu.pipeline_mode<synchronous>, transform_indices = @transform_4, window_bounds = array<i64: 1, 1024>}, {pipeline_mode = #tpu.pipeline_mode<synchronous>, transform_indices = @transform_5, window_bounds = array<i64: 1, 1024>}, {pipeline_mode = #tpu.pipeline_mode<synchronous>, transform_indices = @transform_6, window_bounds = array<i64: 1024, 512>}, {pipeline_mode = #tpu.pipeline_mode<synchronous>, transform_indices = @transform_7, window_bounds = array<i64: 1024, 512>}, {pipeline_mode = #tpu.pipeline_mode<synchronous>, transform_indices = @transform_8, window_bounds = array<i64: 1, 512>}, {pipeline_mode = #tpu.pipeline_mode<synchronous>, transform_indices = @transform_9, window_bounds = array<i64: 1, 512>}, {transform_indices = @transform_10, window_bounds = array<i64: 1024, 512>}, {transform_indices = @transform_11, window_bounds = array<i64: 1024, 1>}, {pipeline_mode = #tpu.pipeline_mode<synchronous>, transform_indices = @transform_12, window_bounds = array<i64: 1, 512>}, {pipeline_mode = #tpu.pipeline_mode<synchronous>, transform_indices = @transform_13, window_bounds = array<i64: 1, 512>}]} {
    %eq3A = arith.constant 0 : i32
    %eq3A_0 = arith.cmpi eq, %arg0, %eq3A : i32
    %convert_element_type3A = arith.extui %eq3A_0 : i1 to i32
    %cond3A = arith.constant 0 : i32
    %cond3A_1 = arith.cmpi ne, %convert_element_type3A, %cond3A : i32
    scf.if %cond3A_1 {
      %get3A_88 = arith.constant 0 : index
      %get3A_89 = arith.constant 0 : index
      %get3A_90 = vector.load %arg7[%get3A_88, %get3A_89] : memref<1024x512xf32, #tpu.memory_space<vmem>>, vector<1024x512xf32>
      %convert_element_type3A_91 = arith.truncf %get3A_90 : vector<1024x512xf32> to vector<1024x512xbf16>
      %swap3A_92 = arith.constant 0 : index
      %swap3A_93 = arith.constant 0 : index
      %swap3A_94 = vector.load %arg15[%swap3A_92, %swap3A_93] : memref<1024x512xbf16, #tpu.memory_space<vmem>>, vector<1024x512xbf16>
      tpu.vector_store %arg15[%swap3A_92, %swap3A_93], %convert_element_type3A_91 {strides = array<i32>} : memref<1024x512xbf16, #tpu.memory_space<vmem>>, vector<1024x512xbf16>,
      %get3A_95 = arith.constant 0 : index
      %get3A_96 = arith.constant 0 : index
      %get3A_97 = vector.load %arg8[%get3A_95, %get3A_96] : memref<1024x512xf32, #tpu.memory_space<vmem>>, vector<1024x512xf32>
      %convert_element_type3A_98 = arith.truncf %get3A_97 : vector<1024x512xf32> to vector<1024x512xbf16>
      %swap3A_99 = arith.constant 0 : index
      %swap3A_100 = arith.constant 0 : index
      %swap3A_101 = vector.load %arg16[%swap3A_99, %swap3A_100] : memref<1024x512xbf16, #tpu.memory_space<vmem>>, vector<1024x512xbf16>
      tpu.vector_store %arg16[%swap3A_99, %swap3A_100], %convert_element_type3A_98 {strides = array<i32>} : memref<1024x512xbf16, #tpu.memory_space<vmem>>, vector<1024x512xbf16>,
      %broadcast_in_dim3A_102 = arith.constant 0.000000e+00 : f32
      %broadcast_in_dim3A_103 = vector.broadcast %broadcast_in_dim3A_102 : f32 to vector<1x512xf32>
      %swap3A_104 = arith.constant 0 : index
      %swap3A_105 = arith.constant 0 : index
      %swap3A_106 = vector.load %arg13[%swap3A_104, %swap3A_105] : memref<1x512xf32, #tpu.memory_space<vmem>>, vector<1x512xf32>
      tpu.vector_store %arg13[%swap3A_104, %swap3A_105], %broadcast_in_dim3A_103 {strides = array<i32>} : memref<1x512xf32, #tpu.memory_space<vmem>>, vector<1x512xf32>,
      %broadcast_in_dim3A_107 = arith.constant 0.000000e+00 : f32
      %broadcast_in_dim3A_108 = vector.broadcast %broadcast_in_dim3A_107 : f32 to vector<1x512xf32>
      %swap3A_109 = arith.constant 0 : index
      %swap3A_110 = arith.constant 0 : index
      %swap3A_111 = vector.load %arg14[%swap3A_109, %swap3A_110] : memref<1x512xf32, #tpu.memory_space<vmem>>, vector<1x512xf32>
      tpu.vector_store %arg14[%swap3A_109, %swap3A_110], %broadcast_in_dim3A_108 {strides = array<i32>} : memref<1x512xf32, #tpu.memory_space<vmem>>, vector<1x512xf32>,
    } else {
    }
    %get3A = arith.constant 0 : index
    %get3A_2 = arith.constant 0 : index
    %get3A_3 = vector.load %arg3[%get3A, %get3A_2] : memref<1x1024xf32, #tpu.memory_space<vmem>>, vector<1x1024xf32>
    %mul3A = arith.constant 6.10351563E-5 : f32
    %mul3A_4 = vector.broadcast %mul3A : f32 to vector<1x1024xf32>
    %mul3A_5 = arith.mulf %get3A_3, %mul3A_4 : vector<1x1024xf32>
    %get3A_6 = arith.constant 0 : index
    %get3A_7 = arith.constant 0 : index
    %get3A_8 = vector.load %arg4[%get3A_6, %get3A_7] : memref<1x1024xf32, #tpu.memory_space<vmem>>, vector<1x1024xf32>
    %mul3A_9 = arith.constant 6.10351563E-5 : f32
    %mul3A_10 = vector.broadcast %mul3A_9 : f32 to vector<1x1024xf32>
    %mul3A_11 = arith.mulf %get3A_8, %mul3A_10 : vector<1x1024xf32>
    %mul3A_12 = arith.mulf %mul3A_5, %mul3A_5 : vector<1x1024xf32>
    %sub3A = arith.subf %mul3A_11, %mul3A_12 : vector<1x1024xf32>
    %add3A = arith.constant 9.99999974E-6 : f32
    %add3A_13 = vector.broadcast %add3A : f32 to vector<1x1024xf32>
    %add3A_14 = arith.addf %sub3A, %add3A_13 : vector<1x1024xf32>
    %rsqrt3A = math.rsqrt %add3A_14 : vector<1x1024xf32>
    %get3A_15 = arith.constant 0 : index
    %get3A_16 = arith.constant 0 : index
    %get3A_17 = vector.load %arg5[%get3A_15, %get3A_16] : memref<1x1024xf32, #tpu.memory_space<vmem>>, vector<1x1024xf32>
    %mul3A_18 = arith.mulf %rsqrt3A, %get3A_17 : vector<1x1024xf32>
    %get3A_19 = arith.constant 0 : index
    %get3A_20 = arith.constant 0 : index
    %get3A_21 = vector.load %arg6[%get3A_19, %get3A_20] : memref<1x1024xf32, #tpu.memory_space<vmem>>, vector<1x1024xf32>
    %mul3A_22 = arith.mulf %mul3A_5, %mul3A_18 : vector<1x1024xf32>
    %sub3A_23 = arith.subf %get3A_21, %mul3A_22 : vector<1x1024xf32>
    %get3A_24 = arith.constant 0 : index
    %get3A_25 = arith.constant 0 : index
    %get3A_26 = vector.load %arg2[%get3A_24, %get3A_25] : memref<1024x1024xbf16, #tpu.memory_space<vmem>>, vector<1024x1024xbf16>
    %convert_element_type3A_27 = arith.extf %get3A_26 : vector<1024x1024xbf16> to vector<1024x1024xf32>
    %mul3A_28 = vector.broadcast %mul3A_18 : vector<1x1024xf32> to vector<1024x1024xf32>
    %mul3A_29 = arith.mulf %convert_element_type3A_27, %mul3A_28 : vector<1024x1024xf32>
    %add3A_30 = vector.broadcast %sub3A_23 : vector<1x1024xf32> to vector<1024x1024xf32>
    %add3A_31 = arith.addf %mul3A_29, %add3A_30 : vector<1024x1024xf32>
    %max3A = arith.constant 0.000000e+00 : f32
    %max3A_32 = vector.broadcast %max3A : f32 to vector<1024x1024xf32>
    %max3A_33 = arith.maximumf %add3A_31, %max3A_32 : vector<1024x1024xf32>
    %get3A_34 = arith.constant 0 : index
    %get3A_35 = arith.constant 0 : index
    %get3A_36 = vector.load %arg1[%get3A_34, %get3A_35] : memref<1024x1024xbf16, #tpu.memory_space<vmem>>, vector<1024x1024xbf16>
    %convert_element_type3A_37 = arith.extf %get3A_36 : vector<1024x1024xbf16> to vector<1024x1024xf32>
    %add3A_38 = arith.addf %max3A_33, %convert_element_type3A_37 : vector<1024x1024xf32>
    %convert_element_type3A_39 = arith.truncf %add3A_38 : vector<1024x1024xf32> to vector<1024x1024xbf16>
    %get3A_40 = arith.constant 0 : index
    %get3A_41 = arith.constant 0 : index
    %get3A_42 = vector.load %arg15[%get3A_40, %get3A_41] : memref<1024x512xbf16, #tpu.memory_space<vmem>>, vector<1024x512xbf16>
    %dot_general3A = arith.constant dense<0.000000e+00> : vector<1024x512xf32>
    %dot_general3A_43 = tpu.matmul %convert_element_type3A_39, %get3A_42, %dot_general3A {dimension_numbers = #tpu.dot_dimension_numbers<[1], [0], [0], [1], [0, 0, 1, 1], [], []>, transpose_lhs_hint = false} : vector<1024x1024xbf16>, vector<1024x512xbf16>, vector<1024x512xf32> -> vector<1024x512xf32>
    %get3A_44 = arith.constant 0 : index
    %get3A_45 = arith.constant 0 : index
    %get3A_46 = vector.load %arg16[%get3A_44, %get3A_45] : memref<1024x512xbf16, #tpu.memory_space<vmem>>, vector<1024x512xbf16>
    %dot_general3A_47 = arith.constant dense<0.000000e+00> : vector<1024x512xf32>
    %dot_general3A_48 = tpu.matmul %convert_element_type3A_39, %get3A_46, %dot_general3A_47 {dimension_numbers = #tpu.dot_dimension_numbers<[1], [0], [0], [1], [0, 0, 1, 1], [], []>, transpose_lhs_hint = false} : vector<1024x1024xbf16>, vector<1024x512xbf16>, vector<1024x512xf32> -> vector<1024x512xf32>
    %get3A_49 = arith.constant 0 : index
    %get3A_50 = arith.constant 0 : index
    %get3A_51 = vector.load %arg9[%get3A_49, %get3A_50] : memref<1x512xf32, #tpu.memory_space<vmem>>, vector<1x512xf32>
    %add3A_52 = vector.broadcast %get3A_51 : vector<1x512xf32> to vector<1024x512xf32>
    %add3A_53 = arith.addf %dot_general3A_48, %add3A_52 : vector<1024x512xf32>
    %convert_element_type3A_54 = arith.truncf %dot_general3A_43 : vector<1024x512xf32> to vector<1024x512xbf16>
    %swap3A = arith.constant 0 : index
    %swap3A_55 = arith.constant 0 : index
    %swap3A_56 = vector.load %arg11[%swap3A, %swap3A_55] : memref<1024x512xbf16, #tpu.memory_space<vmem>>, vector<1024x512xbf16>
    tpu.vector_store %arg11[%swap3A, %swap3A_55], %convert_element_type3A_54 {strides = array<i32>} : memref<1024x512xbf16, #tpu.memory_space<vmem>>, vector<1024x512xbf16>,
    %convert_element_type3A_57 = arith.extf %convert_element_type3A_54 : vector<1024x512xbf16> to vector<1024x512xf32>
    %get3A_58 = arith.constant 0 : index
    %get3A_59 = arith.constant 0 : index
    %get3A_60 = vector.load %arg10[%get3A_58, %get3A_59] : memref<1x512xf32, #tpu.memory_space<vmem>>, vector<1x512xf32>
    %mul3A_61 = vector.broadcast %get3A_60 : vector<1x512xf32> to vector<1024x512xf32>
    %mul3A_62 = arith.mulf %add3A_53, %mul3A_61 : vector<1024x512xf32>
    %reduce_sum3A = arith.constant dense<0.000000e+00> : vector<1024xf32>
    %reduce_sum3A_63 = vector.multi_reduction <add>, %mul3A_62, %reduce_sum3A [1] : vector<1024x512xf32> to vector<1024xf32>
    %broadcast_in_dim3A = vector.shape_cast %reduce_sum3A_63 : vector<1024xf32> to vector<1024x1xf32>
    %swap3A_64 = arith.constant 0 : index
    %swap3A_65 = arith.constant 0 : index
    %swap3A_66 = vector.load %arg12[%swap3A_64, %swap3A_65] : memref<1024x1xf32, #tpu.memory_space<vmem>>, vector<1024x1xf32>
    tpu.vector_store %arg12[%swap3A_64, %swap3A_65], %broadcast_in_dim3A {strides = array<i32>} : memref<1024x1xf32, #tpu.memory_space<vmem>>, vector<1024x1xf32>,
    %get3A_67 = arith.constant 0 : index
    %get3A_68 = arith.constant 0 : index
    %get3A_69 = vector.load %arg13[%get3A_67, %get3A_68] : memref<1x512xf32, #tpu.memory_space<vmem>>, vector<1x512xf32>
    %reduce_sum3A_70 = arith.constant dense<0.000000e+00> : vector<512xf32>
    %reduce_sum3A_71 = vector.multi_reduction <add>, %convert_element_type3A_57, %reduce_sum3A_70 [0] : vector<1024x512xf32> to vector<512xf32>
    %broadcast_in_dim3A_72 = vector.shape_cast %reduce_sum3A_71 : vector<512xf32> to vector<1x512xf32>
    %add3A_73 = arith.addf %get3A_69, %broadcast_in_dim3A_72 : vector<1x512xf32>
    %swap3A_74 = arith.constant 0 : index
    %swap3A_75 = arith.constant 0 : index
    %swap3A_76 = vector.load %arg13[%swap3A_74, %swap3A_75] : memref<1x512xf32, #tpu.memory_space<vmem>>, vector<1x512xf32>
    tpu.vector_store %arg13[%swap3A_74, %swap3A_75], %add3A_73 {strides = array<i32>} : memref<1x512xf32, #tpu.memory_space<vmem>>, vector<1x512xf32>,
    %get3A_77 = arith.constant 0 : index
    %get3A_78 = arith.constant 0 : index
    %get3A_79 = vector.load %arg14[%get3A_77, %get3A_78] : memref<1x512xf32, #tpu.memory_space<vmem>>, vector<1x512xf32>
    %mul3A_80 = arith.mulf %convert_element_type3A_57, %convert_element_type3A_57 : vector<1024x512xf32>
    %reduce_sum3A_81 = arith.constant dense<0.000000e+00> : vector<512xf32>
    %reduce_sum3A_82 = vector.multi_reduction <add>, %mul3A_80, %reduce_sum3A_81 [0] : vector<1024x512xf32> to vector<512xf32>
    %broadcast_in_dim3A_83 = vector.shape_cast %reduce_sum3A_82 : vector<512xf32> to vector<1x512xf32>
    %add3A_84 = arith.addf %get3A_79, %broadcast_in_dim3A_83 : vector<1x512xf32>
    %swap3A_85 = arith.constant 0 : index
    %swap3A_86 = arith.constant 0 : index
    %swap3A_87 = vector.load %arg14[%swap3A_85, %swap3A_86] : memref<1x512xf32, #tpu.memory_space<vmem>>, vector<1x512xf32>
    tpu.vector_store %arg14[%swap3A_85, %swap3A_86], %add3A_84 {strides = array<i32>} : memref<1x512xf32, #tpu.memory_space<vmem>>, vector<1x512xf32>,
    return
  }
  func.func @transform_0(%arg0: i32) -> (i32, i32) {
    %c0_i32 = arith.constant 0 : i32
    %c0_i32_0 = arith.constant 0 : i32
    return %arg0, %c0_i32 : i32, i32
  }
  func.func @transform_1(%arg0: i32) -> (i32, i32) {
    %c0_i32 = arith.constant 0 : i32
    %c0_i32_0 = arith.constant 0 : i32
    return %arg0, %c0_i32 : i32, i32
  }
  func.func @transform_2(%arg0: i32) -> (i32, i32) {
    %c0_i32 = arith.constant 0 : i32
    %c0_i32_0 = arith.constant 0 : i32
    %c0_i32_1 = arith.constant 0 : i32
    return %c0_i32, %c0_i32_0 : i32, i32
  }
  func.func @transform_3(%arg0: i32) -> (i32, i32) {
    %c0_i32 = arith.constant 0 : i32
    %c0_i32_0 = arith.constant 0 : i32
    %c0_i32_1 = arith.constant 0 : i32
    return %c0_i32, %c0_i32_0 : i32, i32
  }
  func.func @transform_4(%arg0: i32) -> (i32, i32) {
    %c0_i32 = arith.constant 0 : i32
    %c0_i32_0 = arith.constant 0 : i32
    %c0_i32_1 = arith.constant 0 : i32
    return %c0_i32, %c0_i32_0 : i32, i32
  }
  func.func @transform_5(%arg0: i32) -> (i32, i32) {
    %c0_i32 = arith.constant 0 : i32
    %c0_i32_0 = arith.constant 0 : i32
    %c0_i32_1 = arith.constant 0 : i32
    return %c0_i32, %c0_i32_0 : i32, i32
  }
  func.func @transform_6(%arg0: i32) -> (i32, i32) {
    %c0_i32 = arith.constant 0 : i32
    %c0_i32_0 = arith.constant 0 : i32
    %c0_i32_1 = arith.constant 0 : i32
    return %c0_i32, %c0_i32_0 : i32, i32
  }
  func.func @transform_7(%arg0: i32) -> (i32, i32) {
    %c0_i32 = arith.constant 0 : i32
    %c0_i32_0 = arith.constant 0 : i32
    %c0_i32_1 = arith.constant 0 : i32
    return %c0_i32, %c0_i32_0 : i32, i32
  }
  func.func @transform_8(%arg0: i32) -> (i32, i32) {
    %c0_i32 = arith.constant 0 : i32
    %c0_i32_0 = arith.constant 0 : i32
    %c0_i32_1 = arith.constant 0 : i32
    return %c0_i32, %c0_i32_0 : i32, i32
  }
  func.func @transform_9(%arg0: i32) -> (i32, i32) {
    %c0_i32 = arith.constant 0 : i32
    %c0_i32_0 = arith.constant 0 : i32
    %c0_i32_1 = arith.constant 0 : i32
    return %c0_i32, %c0_i32_0 : i32, i32
  }
  func.func @transform_10(%arg0: i32) -> (i32, i32) {
    %c0_i32 = arith.constant 0 : i32
    %c0_i32_0 = arith.constant 0 : i32
    return %arg0, %c0_i32 : i32, i32
  }
  func.func @transform_11(%arg0: i32) -> (i32, i32) {
    %c0_i32 = arith.constant 0 : i32
    %c0_i32_0 = arith.constant 0 : i32
    return %arg0, %c0_i32 : i32, i32
  }
  func.func @transform_12(%arg0: i32) -> (i32, i32) {
    %c0_i32 = arith.constant 0 : i32
    %c0_i32_0 = arith.constant 0 : i32
    %c0_i32_1 = arith.constant 0 : i32
    return %c0_i32, %c0_i32_0 : i32, i32
  }
  func.func @transform_13(%arg0: i32) -> (i32, i32) {
    %c0_i32 = arith.constant 0 : i32
    %c0_i32_0 = arith.constant 0 : i32
    %c0_i32_1 = arith.constant 0 : i32
    return %c0_i32, %c0_i32_0 : i32, i32
  }
}

module attributes {stable_mosaic.version = 14 : i64} {
  func.func @_k4(%arg0: i32, %arg1: memref<2048x512xbf16, #tpu.memory_space<vmem>>, %arg2: memref<2048x1xf32, #tpu.memory_space<vmem>>, %arg3: memref<1x512xf32, #tpu.memory_space<vmem>>, %arg4: memref<1x512xf32, #tpu.memory_space<vmem>>, %arg5: memref<1x512xf32, #tpu.memory_space<vmem>>, %arg6: memref<1x512xf32, #tpu.memory_space<vmem>>, %arg7: memref<1x512xf32, #tpu.memory_space<vmem>>, %arg8: memref<1x1xf32, #tpu.memory_space<vmem>>, %arg9: memref<2048x1xf32, #tpu.memory_space<vmem>>) attributes {dimension_semantics = [#tpu.dimension_semantics<arbitrary>], iteration_bounds = array<i64: 8>, scalar_prefetch = 0 : i64, scratch_operands = 0 : i64, tpu.core_type = #tpu.core_type<tc>, window_params = [{transform_indices = @transform_0, window_bounds = array<i64: 2048, 512>}, {transform_indices = @transform_1, window_bounds = array<i64: 2048, 1>}, {pipeline_mode = #tpu.pipeline_mode<synchronous>, transform_indices = @transform_2, window_bounds = array<i64: 1, 512>}, {pipeline_mode = #tpu.pipeline_mode<synchronous>, transform_indices = @transform_3, window_bounds = array<i64: 1, 512>}, {pipeline_mode = #tpu.pipeline_mode<synchronous>, transform_indices = @transform_4, window_bounds = array<i64: 1, 512>}, {pipeline_mode = #tpu.pipeline_mode<synchronous>, transform_indices = @transform_5, window_bounds = array<i64: 1, 512>}, {pipeline_mode = #tpu.pipeline_mode<synchronous>, transform_indices = @transform_6, window_bounds = array<i64: 1, 512>}, {pipeline_mode = #tpu.pipeline_mode<synchronous>, transform_indices = @transform_7, window_bounds = array<i64: 1, 1>}, {transform_indices = @transform_8, window_bounds = array<i64: 2048, 1>}]} {
    %get3A = arith.constant 0 : index
    %get3A_0 = arith.constant 0 : index
    %get3A_1 = vector.load %arg3[%get3A, %get3A_0] : memref<1x512xf32, #tpu.memory_space<vmem>>, vector<1x512xf32>
    %mul3A = arith.constant 6.10351563E-5 : f32
    %mul3A_2 = vector.broadcast %mul3A : f32 to vector<1x512xf32>
    %mul3A_3 = arith.mulf %get3A_1, %mul3A_2 : vector<1x512xf32>
    %get3A_4 = arith.constant 0 : index
    %get3A_5 = arith.constant 0 : index
    %get3A_6 = vector.load %arg4[%get3A_4, %get3A_5] : memref<1x512xf32, #tpu.memory_space<vmem>>, vector<1x512xf32>
    %mul3A_7 = arith.constant 6.10351563E-5 : f32
    %mul3A_8 = vector.broadcast %mul3A_7 : f32 to vector<1x512xf32>
    %mul3A_9 = arith.mulf %get3A_6, %mul3A_8 : vector<1x512xf32>
    %mul3A_10 = arith.mulf %mul3A_3, %mul3A_3 : vector<1x512xf32>
    %sub3A = arith.subf %mul3A_9, %mul3A_10 : vector<1x512xf32>
    %add3A = arith.constant 9.99999974E-6 : f32
    %add3A_11 = vector.broadcast %add3A : f32 to vector<1x512xf32>
    %add3A_12 = arith.addf %sub3A, %add3A_11 : vector<1x512xf32>
    %rsqrt3A = math.rsqrt %add3A_12 : vector<1x512xf32>
    %get3A_13 = arith.constant 0 : index
    %get3A_14 = arith.constant 0 : index
    %get3A_15 = vector.load %arg5[%get3A_13, %get3A_14] : memref<1x512xf32, #tpu.memory_space<vmem>>, vector<1x512xf32>
    %mul3A_16 = arith.mulf %rsqrt3A, %get3A_15 : vector<1x512xf32>
    %get3A_17 = arith.constant 0 : index
    %get3A_18 = arith.constant 0 : index
    %get3A_19 = vector.load %arg6[%get3A_17, %get3A_18] : memref<1x512xf32, #tpu.memory_space<vmem>>, vector<1x512xf32>
    %mul3A_20 = arith.mulf %mul3A_3, %mul3A_16 : vector<1x512xf32>
    %sub3A_21 = arith.subf %get3A_19, %mul3A_20 : vector<1x512xf32>
    %get3A_22 = arith.constant 0 : index
    %get3A_23 = arith.constant 0 : index
    %get3A_24 = vector.load %arg1[%get3A_22, %get3A_23] : memref<2048x512xbf16, #tpu.memory_space<vmem>>, vector<2048x512xbf16>
    %convert_element_type3A = arith.extf %get3A_24 : vector<2048x512xbf16> to vector<2048x512xf32>
    %mul3A_25 = vector.broadcast %mul3A_16 : vector<1x512xf32> to vector<2048x512xf32>
    %mul3A_26 = arith.mulf %convert_element_type3A, %mul3A_25 : vector<2048x512xf32>
    %add3A_27 = vector.broadcast %sub3A_21 : vector<1x512xf32> to vector<2048x512xf32>
    %add3A_28 = arith.addf %mul3A_26, %add3A_27 : vector<2048x512xf32>
    %max3A = arith.constant 0.000000e+00 : f32
    %max3A_29 = vector.broadcast %max3A : f32 to vector<2048x512xf32>
    %max3A_30 = arith.maximumf %add3A_28, %max3A_29 : vector<2048x512xf32>
    %get3A_31 = arith.constant 0 : index
    %get3A_32 = arith.constant 0 : index
    %get3A_33 = vector.load %arg7[%get3A_31, %get3A_32] : memref<1x512xf32, #tpu.memory_space<vmem>>, vector<1x512xf32>
    %mul3A_34 = vector.broadcast %get3A_33 : vector<1x512xf32> to vector<2048x512xf32>
    %mul3A_35 = arith.mulf %max3A_30, %mul3A_34 : vector<2048x512xf32>
    %reduce_sum3A = arith.constant dense<0.000000e+00> : vector<2048xf32>
    %reduce_sum3A_36 = vector.multi_reduction <add>, %mul3A_35, %reduce_sum3A [1] : vector<2048x512xf32> to vector<2048xf32>
    %broadcast_in_dim3A = vector.shape_cast %reduce_sum3A_36 : vector<2048xf32> to vector<2048x1xf32>
    %get3A_37 = arith.constant 0 : index
    %get3A_38 = arith.constant 0 : index
    %get3A_39 = vector.load %arg2[%get3A_37, %get3A_38] : memref<2048x1xf32, #tpu.memory_space<vmem>>, vector<2048x1xf32>
    %add3A_40 = arith.addf %broadcast_in_dim3A, %get3A_39 : vector<2048x1xf32>
    %get3A_41 = arith.constant 0 : index
    %get3A_42 = arith.constant 0 : index
    %get3A_43 = vector.load %arg8[%get3A_41, %get3A_42] : memref<1x1xf32, #tpu.memory_space<vmem>>, vector<1x1xf32>
    %add3A_44 = vector.broadcast %get3A_43 : vector<1x1xf32> to vector<2048x1xf32>
    %add3A_45 = arith.addf %add3A_40, %add3A_44 : vector<2048x1xf32>
    %swap3A = arith.constant 0 : index
    %swap3A_46 = arith.constant 0 : index
    %swap3A_47 = vector.load %arg9[%swap3A, %swap3A_46] : memref<2048x1xf32, #tpu.memory_space<vmem>>, vector<2048x1xf32>
    tpu.vector_store %arg9[%swap3A, %swap3A_46], %add3A_45 {strides = array<i32>} : memref<2048x1xf32, #tpu.memory_space<vmem>>, vector<2048x1xf32>,
    return
  }
  func.func @transform_0(%arg0: i32) -> (i32, i32) {
    %c0_i32 = arith.constant 0 : i32
    %c0_i32_0 = arith.constant 0 : i32
    return %arg0, %c0_i32 : i32, i32
  }
  func.func @transform_1(%arg0: i32) -> (i32, i32) {
    %c0_i32 = arith.constant 0 : i32
    %c0_i32_0 = arith.constant 0 : i32
    return %arg0, %c0_i32 : i32, i32
  }
  func.func @transform_2(%arg0: i32) -> (i32, i32) {
    %c0_i32 = arith.constant 0 : i32
    %c0_i32_0 = arith.constant 0 : i32
    %c0_i32_1 = arith.constant 0 : i32
    return %c0_i32, %c0_i32_0 : i32, i32
  }
  func.func @transform_3(%arg0: i32) -> (i32, i32) {
    %c0_i32 = arith.constant 0 : i32
    %c0_i32_0 = arith.constant 0 : i32
    %c0_i32_1 = arith.constant 0 : i32
    return %c0_i32, %c0_i32_0 : i32, i32
  }
  func.func @transform_4(%arg0: i32) -> (i32, i32) {
    %c0_i32 = arith.constant 0 : i32
    %c0_i32_0 = arith.constant 0 : i32
    %c0_i32_1 = arith.constant 0 : i32
    return %c0_i32, %c0_i32_0 : i32, i32
  }
  func.func @transform_5(%arg0: i32) -> (i32, i32) {
    %c0_i32 = arith.constant 0 : i32
    %c0_i32_0 = arith.constant 0 : i32
    %c0_i32_1 = arith.constant 0 : i32
    return %c0_i32, %c0_i32_0 : i32, i32
  }
  func.func @transform_6(%arg0: i32) -> (i32, i32) {
    %c0_i32 = arith.constant 0 : i32
    %c0_i32_0 = arith.constant 0 : i32
    %c0_i32_1 = arith.constant 0 : i32
    return %c0_i32, %c0_i32_0 : i32, i32
  }
  func.func @transform_7(%arg0: i32) -> (i32, i32) {
    %c0_i32 = arith.constant 0 : i32
    %c0_i32_0 = arith.constant 0 : i32
    %c0_i32_1 = arith.constant 0 : i32
    return %c0_i32, %c0_i32_0 : i32, i32
  }
  func.func @transform_8(%arg0: i32) -> (i32, i32) {
    %c0_i32 = arith.constant 0 : i32
    %c0_i32_0 = arith.constant 0 : i32
    return %arg0, %c0_i32 : i32, i32
  }
}

</mosaic_0001>

<sc_bundles>
// kernel: kernel.7.cloned.1.call-start
scs
__scs_entry_jumppad:
0x0: {  	(pc) =	sbr.rel $0x88, $3  }
0x1: {  	(tag) =	ssettag $0x0;
	lr =	simm.s32 $0x1  }
0x2: {  	[smem:$0x3F81] =	sst lr;
	_ =	strace $0xD0000000  }
0x3: {  	_ = 	snop  }
0x4: {  	_ = 	snop  }
0x5: {  	_ = 	snop  }
0x6: {  	_ = 	snop  }
0x7: {  	_ = 	snop  }
__scs_overlays_trampoline_lowered:
0x8: {  	[smem:$0x3F90] =	sst s0  }
0x9: {  	[smem:$0x3F91] =	sst s1  }
0xa: {  	[smem:$0x3F92] =	sst s2  }
0xb: {  	[smem:$0x3F93] =	sst s3  }
0xc: {  	[smem:$0x3F94] =	sst s4  }
0xd: {  	[smem:$0x3F95] =	sst s5  }
0xe: {  	[smem:$0x3F96] =	sst s6  }
0xf: {  	[smem:$0x3F97] =	sst s7  }
0x10: {  	[smem:$0x3F98] =	sst s8  }
0x11: {  	[smem:$0x3F99] =	sst s9;
	s0 =	simm.s32 @!p0 $0x0  }
0x12: {  	s1 =	sld [smem:$0x3F7F];
	s0 =	simm.s32 @p0 $0x1  }
0x13: {  	[smem:$0x3F9A] =	sst s0;
	s0 =	simm.s32 @!p1 $0x0  }
0x14: {  	s2 =	sld [smem:$0x3F7E];
	s0 =	simm.s32 @p1 $0x1  }
0x15: {  	[smem:$0x3F9B] =	sst s0;
	s0 =	simm.s32 @!p2 $0x0  }
0x16: {  	s3 =	sld [smem:$0x3FDB];
	s0 =	simm.s32 @p2 $0x1  }
0x17: {  	s4 =	simm.s32 $0x1BF5;
	[smem:$0x3F9D] =	sst s0  }
0x18: {  	s0 =	sld [smem:$0x3F80];
	_ =	swait.ge [sflag:s4], $0x0  }
0x19: {  	s7 =	sld [smem:$0x3F81]  }
0x1a: {  	s8 =	sadd.s32 $0xFFFFE003, lr  }
0x1b: {  	s9 =	sadd.s32 $0xFFFFFEF7, lr;
	s5 =	simm.s32 $0xFFFFFFFF;
	p2 =	slt.u32 s8, $0xFFFFF086  }
0x1c: {  	p1 =	slt.u32 s9, $0xF7A;
	s5 =	simm.s32 @!p2 $0x0  }
0x1d: {  	s5 =	simm.s32 @p1 $0x1;
	p0 =	seq.s32 s7, s2  }
0x1e: {  	s7 =	smul.u32 @!p0 $0xF7A, s2;
	p2 =	seq.s32 @!p0 s5, $0x0  }
0x1f: {  	s9 =	smul.u32 $0xF7A, s1;
	s8 =	simm.s32 @!p0 $0x1BF5;
	p2 =	por !p2, p0  }
0x20: {  	[sflag:s8] =	ssyncset.s32 @!p0 $0xFFFFF086;
	s6 =	sadd.s32 @!p0 s3, s7;
	s7 =	simm.s32 @!p0 $0x108  }
0x21: {  	s3 =	sadd.s32 s3, s9;
	s6 =	sadd.s32 @!p0 $0x88, s6;
	s7 =	simm.s32 @p2 $0x1082  }
0x22: {  	[simem:s7], [sflag:s8] =	dma.local @!p0 [hbm:s6], $0xF7A  }
0x23: {  	s9 =	sor.u32 $0xD0000000, s2;
	s6 =	simm.s32 $0x108;
	_ =	swait.ge @!p0 [sflag:s8], $0x0  }
0x24: {  	s3 =	sadd.s32 $0x88, s3;
	s6 =	simm.s32 @!p1 $0x1082;
	[sflag:s4] =	ssyncset.s32 $0xFFFFF086  }
0x25: {  	[simem:s6], [sflag:s4] =	dma.local [hbm:s3], $0xF7A  }
0x26: {  	[smem:$0x3F81] =	sst s1;
	(tag) =	ssettag s2;
	_ =	strace s9  }
0x27: {  	s1 =	sld [smem:$0x3F91]  }
0x28: {  	s2 =	sld [smem:$0x3F92]  }
0x29: {  	s4 =	sld [smem:$0x3F94]  }
0x2a: {  	p0 =	seq.s32 s5, $0x0;
	s5 =	sld [smem:$0x3F95]  }
0x2b: {  	s6 =	sld [smem:$0x3F96]  }
0x2c: {  	s7 =	sld [smem:$0x3F97]  }
0x2d: {  	s3 =	simm.s32 $0x108;
	s8 =	sld [smem:$0x3F98]  }
0x2e: {  	s3 =	simm.s32 @!p0 $0x1082;
	s9 =	sld [smem:$0x3F99]  }
0x2f: {  	lr =	sadd.s32 s0, s3;
	s0 =	sld [smem:$0x3F90]  }
0x30: {  	s3 =	sld [smem:$0x3F93]  }
0x31: {  	[smem:$0x3F9C] =	sst s10  }
0x32: {  	s10 =	sld [smem:$0x3F9A];
	_ =	sdelay $0x3  }
0x33: {  	p0 =	seq.s32 s10, $0x1;
	s10 =	sld [smem:$0x3F9C];
	_ =	sdelay $0x3  }
0x34: {  	[smem:$0x3F9C] =	sst s10  }
0x35: {  	s10 =	sld [smem:$0x3F9B];
	_ =	sdelay $0x3  }
0x36: {  	p1 =	seq.s32 s10, $0x1;
	s10 =	sld [smem:$0x3F9C];
	_ =	sdelay $0x3  }
0x37: {  	[smem:$0x3F9C] =	sst s10  }
0x38: {  	s10 =	sld [smem:$0x3F9D]  }
0x39: {  	_ = 	snop;
	(pc) =	sbr.ind lr, $3  }
0x3a: {  	_ = 	snop  }
0x3b: {  	_ = 	snop  }
0x3c: {  	p2 =	seq.s32 s10, $0x1;
	s10 =	sld [smem:$0x3F9C]  }
0x3d: {  	_ =	shalt  }
0x3e: {  	_ =	shalt  }
0x3f: {  	_ =	shalt  }
0x40: {  	_ =	shalt  }
0x41: {  	_ =	shalt  }
0x42: {  	_ =	shalt  }
0x43: {  	_ =	shalt  }
0x44: {  	_ =	shalt  }
0x45: {  	_ =	shalt  }
0x46: {  	_ =	shalt  }
0x47: {  	_ =	shalt  }
0x48: {  	_ =	shalt  }
0x49: {  	_ =	shalt  }
0x4a: {  	_ =	shalt  }
0x4b: {  	_ =	shalt  }
0x4c: {  	_ =	shalt  }
0x4d: {  	_ =	shalt  }
0x4e: {  	_ =	shalt  }
0x4f: {  	_ =	shalt  }
0x50: {  	_ =	shalt  }
0x51: {  	_ =	shalt  }
0x52: {  	_ =	shalt  }
0x53: {  	_ =	shalt  }
0x54: {  	_ =	shalt  }
0x55: {  	_ =	shalt  }
0x56: {  	_ =	shalt  }
0x57: {  	_ =	shalt  }
0x58: {  	_ =	shalt  }
0x59: {  	_ =	shalt  }
0x5a: {  	_ =	shalt  }
0x5b: {  	_ =	shalt  }
0x5c: {  	_ =	shalt  }
0x5d: {  	_ =	shalt  }
0x5e: {  	_ =	shalt  }
0x5f: {  	_ =	shalt  }
0x60: {  	_ =	shalt  }
0x61: {  	_ =	shalt  }
0x62: {  	_ =	shalt  }
0x63: {  	_ =	shalt  }
0x64: {  	_ =	shalt  }
0x65: {  	_ =	shalt  }
0x66: {  	_ =	shalt  }
0x67: {  	_ =	shalt  }
0x68: {  	_ =	shalt  }
0x69: {  	_ =	shalt  }
0x6a: {  	_ =	shalt  }
0x6b: {  	_ =	shalt  }
0x6c: {  	_ =	shalt  }
0x6d: {  	_ =	shalt  }
0x6e: {  	_ =	shalt  }
0x6f: {  	_ =	shalt  }
0x70: {  	_ =	shalt  }
0x71: {  	_ =	shalt  }
0x72: {  	_ =	shalt  }
0x73: {  	_ =	shalt  }
0x74: {  	_ =	shalt  }
0x75: {  	_ =	shalt  }
0x76: {  	_ =	shalt  }
0x77: {  	_ =	shalt  }
0x78: {  	_ =	shalt  }
0x79: {  	_ =	shalt  }
0x7a: {  	_ =	shalt  }
0x7b: {  	_ =	shalt  }
0x7c: {  	_ =	shalt  }
0x7d: {  	_ =	shalt  }
0x7e: {  	_ =	shalt  }
0x7f: {  	_ =	shalt  }
0x80: {  	_ =	shalt  }
0x81: {  	_ =	shalt  }
0x82: {  	_ =	shalt  }
0x83: {  	_ =	shalt  }
0x84: {  	_ =	shalt  }
0x85: {  	_ =	shalt  }
0x86: {  	_ =	shalt  }
0x87: {  	_ =	shalt  }
.Lfunc_end0:
.L_simem_size_0:
called_computation_lowered:
.L_overlay_start_0:
0x88: {  	s2 =	sld [smem:$0x3FD9]  }
0x89: {  	s3 =	sld [smem:$0x3FFE];
	_ =	sdelay $0x1  }
0x8a: {  	s1 =	srdreg.scid  }
0x8b: {  	s0 =	sand.u32 $0x1, s1  }
0x8c: {  	s16 =	sshll.u32 s0, $0xA;
	s2 =	sadd.s32 s3, s2  }
0x8d: {  	s2 =	sadd.s32 s2, s16  }
0x8e: {  	[smem:$0x3FA8] =	sst s2  }
0x8f: {  	_ = 	snop  }
0x90: {  	(tm) =	ssettm $0x1  }
0x91: {  	s17 =	sld [smem:$0x3FFB];
	_ =	sdelay $0x3  }
0x92: {  	_ =	strace s17  }
0x93: {  	s2 =	sld [smem:$0x3FFC];
	_ =	sdelay $0x3  }
0x94: {  	_ =	strace s2  }
0x95: {  	s2 =	sld [smem:$0x3FFD];
	_ =	sdelay $0x3  }
0x96: {  	_ =	strace s2  }
0x97: {  	_ =	strace $0x8FFFFFFF  }
0x98: {  	s18 =	sld [smem:$0x3FDB];
	_ =	sdelay $0x1  }
0x99: {  	s19 =	simm.s32 $_scs_section_size  }
0x9a: {  	s4 =	simm.s32 $_size__tile_overlayer_lowered;
	s5 =	simm.s32 $_tile_overlayer_lowered  }
0x9b: {  	s22 =	simm.s32 $0x1BFF;
	s21 =	sshll.u32 s5, $0x1;
	s2 =	sadd.s32 s19, s18  }
0x9c: {  	s6 =	simm.s32 $0x0;
	s20 =	sshll.u32 s4, $0x1;
	s4 =	sadd.s32 s21, s2  }
0x9d: {  	[timem:s6], [sflag:s22] =	dma.local [hbm:s4], s20  }
0x9e: {  	_ =	swait.ge [sflag:s22], s20  }
0x9f: {  	s3 =	ssub.s32 $0x0, s20;
	[sflag:s22] =	ssyncset.done $0x0  }
0xa0: {  	[sflag:s22] =	ssyncadd.s32 s3;
	_ =	sdelay $0x1  }
0xa1: {  	s23 =	simm.s32 $0x1B8B  }
0xa2: {  	_ =	swait.ge [sflag:s23], $0x1  }
0xa3: {  	[sflag:s23] =	ssyncset.done $0x0  }
0xa4: {  	s25 =	simm.s32 $0x1B8E;
	s24 =	sld [smem:$0x3FFE];
	[sflag:s23] =	ssyncadd.s32 $0xFFFFFFFF  }
0xa5: {  	s26 =	simm.s32 $execute0_lowered;
	[smem:$0x3FD2] =	sst s25  }
0xa6: {  	s4 =	sshll.u32 s26, $0x1;
	_ =	strace $0x80000046;
	[dreg:$0x1] =	wrdreg $0xFFFFFFFF  }
0xa7: {  	s28 =	simm.s32 $_size_execute0_lowered;
	s2 =	sadd.s32 s2, s4;
	[dreg:$0x0] =	wrdreg $0x0  }
0xa8: {  	s4 =	sshll.u32 s28, $0x1;
	[dreg:$0x2] =	wrdreg s2  }
0xa9: {  	[dreg:$0x3] =	wrdreg s4  }
0xaa: {  	[dreg:$0x4] =	wrdreg $0xC0  }
0xab: {  	_ =	task [dreg:s6], $0x5FFFF  }
0xac: {  	[dreg:$0x1] =	wrdreg $0xFFFFFFFF  }
0xad: {  	[dreg:$0x0] =	wrdreg $0x60  }
0xae: {  	[dreg:$0x2] =	wrdreg s24  }
0xaf: {  	[dreg:$0x3] =	wrdreg $0x9  }
0xb0: {  	_ =	task.clear_ibuf [dreg:s6], $0x4FFFF;
	_ =	strace $0x90000046  }
0xb1: {  	s29 =	simm.s32 $0x9;
	_ =	strace $0x80000048  }
0xb2: {  	_ =	swait.ge [sflag:s29], $0x1  }
0xb3: {  	[sflag:s29] =	ssyncadd.s32 $0xFFFFFFFF  }
0xb4: {  	_ =	strace $0x90000048  }
0xb5: {  	_ =	sfence  }
0xb6: {  	s30 =	sld [smem:$0x0];
	_ =	sdelay $0x2  }
0xb7: {  	s31 =	sshll.u32 s1, $0xD;
	s1 =	sshrl.u32 s1, $0x2  }
0xb8: {  	s3 =	sand.u32 $0x4000, s31;
	s1 =	sadd.s32 s1, s30  }
0xb9: {  	s0 =	sor.u32 s3, s0;
	s1 =	sshll.u32 s1, $0x11  }
0xba: {  	s0 =	sor.u32 s1, s0  }
0xbb: {  	s0 =	sadd.s32 $0x8F2B, s0  }
0xbc: {  	[sflag:s0] =	ssyncadd.remote.s32 $0x1  }
0xbd: {  	_ =	sfence.sel $0xFFFF  }
0xbe: {  	[dreg:$0x0] =	wrdreg $0xFFFFFFFF;
	(pc) =	sbr.abs _section_cstart, $3  }
0xbf: {  	[dreg:$0x1] =	wrdreg $0xFFFFFFFF  }
0xc0: {  	_ =	task.clear_ibuf [dreg:s6], $0x2FFFF;
	_ =	strace $0x9FFFFFFF  }
0xc1: {  	(tm) =	ssettm $0x7FFFFFFF  }
tec
execute0_lowered:
.L_overlay_start_1:
0x0: {  	(tag) =	ssettag $0x1  }
0x1: {  	s1 =	srdreg.scid  }
0x2: {  	s0 =	stileid.u32;
	s13 =	sand.u32 $0x1, s1  }
0x3: {  	s30 =	sshll.u32 s0, $0xA;
	s2 =	sshll.u32 s13, $0x9  }
0x4: {  	s12 =	rddreg [dreg:$0x0];
	s8 =	sor.u32 s2, s30  }
0x5: {  	s1 =	rddreg [dreg:$0x1];
	s2 =	simm.s32 $0x0;
	s3 =	sshrl.u32 s8, $0x3  }
0x6: {  	[smem:$0x7FF] =	sst s2;
	s11 =	sadd.s32 s3, s12  }
0x7: {  	_ =	strace $0x80000047;
	s3 =	simm.s32 $0x2;
	s4 =	sadd.s32 $0x5200, s11  }
0x8: {  	[tilespmem:s2], [sflag:$0x2] =	stream.linear.gather [hbm4b:s4+s2], $0x200, $0x38;
	[tilespmem:$0x10200] =	vst v63  }
0x9: {  	_ =	swait.ge [sflag:s3], $0x200  }
0xa: {  	s6 =	simm.s32 $0x200;
	[sflag:s3] =	ssyncset.done $0x0  }
0xb: {  	s7 =	simm.s32 $0x1;
	s5 =	sadd.s32 $0x312600, s12;
	[sflag:s3] =	ssyncadd.s32 $0xFFFFFE00  }
0xc: {  	[tilespmem:s6], [sflag:$0x1] =	stream.indirect.gather [hbm4b:s5+s6], $0x80, s2, s6, $0xb8;
	[tilespmem:$0x10200] =	vst v63  }
0xd: {  	s8 =	sshll.u32 s8, $0x4;
	_ =	swait.ge [sflag:s7], $0x10000  }
0xe: {  	s14 =	sadd.s32 s8, s12;
	[sflag:s7] =	ssyncset.done $0x0  }
0xf: {  	s8 =	sadd.s32 $0xAA00, s14;
	[sflag:s7] =	ssyncadd.s32 $0xFFFF0000  }
0x10: {  	[hbm4b:s8+s2] =	stream.linear.scatter [tilespmem:s6], [sflag:$0x2], $0x10000, $0x38;
	[tilespmem:$0x10200] =	vst v63  }
0x11: {  	_ =	swait.ge [sflag:s3], $0x10000  }
0x12: {  	[sflag:s3] =	ssyncset.done $0x0  }
0x13: {  	s9 =	sadd.s32 $0x5A00, s11;
	[sflag:s3] =	ssyncadd.s32 $0xFFFF0000  }
0x14: {  	[tilespmem:s2], [sflag:$0x2] =	stream.linear.gather [hbm4b:s9+s2], $0x200, $0x38;
	[tilespmem:$0x10200] =	vst v63  }
0x15: {  	_ =	swait.ge [sflag:s3], $0x200  }
0x16: {  	[sflag:s3] =	ssyncset.done $0x0  }
0x17: {  	[sflag:s3] =	ssyncadd.s32 $0xFFFFFE00  }
0x18: {  	[tilespmem:s6], [sflag:$0x1] =	stream.indirect.gather [hbm4b:s5+s6], $0x80, s2, s6, $0xb8;
	[tilespmem:$0x10200] =	vst v63  }
0x19: {  	_ =	swait.ge [sflag:s7], $0x10000  }
0x1a: {  	[sflag:s7] =	ssyncset.done $0x0  }
0x1b: {  	s10 =	sadd.s32 $0x4AA00, s14;
	[sflag:s7] =	ssyncadd.s32 $0xFFFF0000  }
0x1c: {  	[hbm4b:s10+s2] =	stream.linear.scatter [tilespmem:s6], [sflag:$0x2], $0x10000, $0x38;
	[tilespmem:$0x10200] =	vst v63  }
0x1d: {  	_ =	swait.ge [sflag:s3], $0x10000  }
0x1e: {  	[sflag:s3] =	ssyncset.done $0x0  }
0x1f: {  	s13 =	ssub.s32 $0x2, s13;
	s11 =	sadd.s32 $0x6200, s11;
	[sflag:s3] =	ssyncadd.s32 $0xFFFF0000  }
0x20: {  	[tilespmem:s2], [sflag:$0x2] =	stream.linear.gather [hbm4b:s11+s2], $0x200, $0x38;
	[tilespmem:$0x10200] =	vst v63  }
0x21: {  	s15 =	sshrl.u32 s13, $0x1;
	_ =	swait.ge [sflag:s3], $0x200  }
0x22: {  	s15 =	ssub.s32 s13, s15;
	[sflag:s3] =	ssyncset.done $0x0  }
0x23: {  	s12 =	sadd.s32 $0x6A00, s12;
	s31 =	smax.u32 s15, $0x1;
	[sflag:s3] =	ssyncadd.s32 $0xFFFFFE00  }
0x24: {  	[tilespmem:s6], [sflag:$0x1] =	stream.indirect.gather [hbm4b:s12+s6], $0x80, s2, s6, $0xb8;
	[tilespmem:$0x10200] =	vst v63  }
0x25: {  	p0 =	sne.s32 s31, $0x1;
	_ =	swait.ge [sflag:s7], $0x10000  }
.Ltmp0:
0x26: {  	[sflag:s7] =	ssyncset.done $0x0;
	(pc) =	sbr.rel @!p0 .LBB2_2-.Ltmp0, $4  }
0x27: {  	s13 =	sadd.s32 $0x8AA00, s14;
	[sflag:s7] =	ssyncadd.s32 $0xFFFF0000  }
0x28: {  	[hbm4b:s13+s2] =	stream.linear.scatter [tilespmem:s6], [sflag:$0x2], $0x10000, $0x38;
	[tilespmem:$0x10200] =	vst v63  }
0x29: {  	_ =	swait.ge [sflag:s3], $0x10000  }
0x2a: {  	s14 =	sadd.s32 $0xFFFFFFFF, s31;
	[sflag:s3] =	ssyncset.done $0x0  }
.LBB2_1:
0x2b: {  	p0 =	sne.s32 s14, $0x1;
	s14 =	sadd.s32 $0xFFFFFFFF, s14;
	[sflag:s3] =	ssyncadd.s32 $0xFFFF0000  }
0x2c: {  	[tilespmem:s2], [sflag:$0x2] =	stream.linear.gather [hbm4b:s4+s2], $0x200, $0x38;
	[tilespmem:$0x10200] =	vst v63  }
0x2d: {  	_ =	swait.ge [sflag:s3], $0x200  }
0x2e: {  	[sflag:s3] =	ssyncset.done $0x0  }
0x2f: {  	[sflag:s3] =	ssyncadd.s32 $0xFFFFFE00  }
0x30: {  	[tilespmem:s6], [sflag:$0x1] =	stream.indirect.gather [hbm4b:s5+s6], $0x80, s2, s6, $0xb8;
	[tilespmem:$0x10200] =	vst v63  }
0x31: {  	_ =	swait.ge [sflag:s7], $0x10000  }
0x32: {  	[sflag:s7] =	ssyncset.done $0x0  }
0x33: {  	[sflag:s7] =	ssyncadd.s32 $0xFFFF0000  }
0x34: {  	[hbm4b:s8+s2] =	stream.linear.scatter [tilespmem:s6], [sflag:$0x2], $0x10000, $0x38;
	[tilespmem:$0x10200] =	vst v63  }
0x35: {  	_ =	swait.ge [sflag:s3], $0x10000  }
0x36: {  	[sflag:s3] =	ssyncset.done $0x0  }
0x37: {  	[sflag:s3] =	ssyncadd.s32 $0xFFFF0000  }
0x38: {  	[tilespmem:s2], [sflag:$0x2] =	stream.linear.gather [hbm4b:s9+s2], $0x200, $0x38;
	[tilespmem:$0x10200] =	vst v63  }
0x39: {  	_ =	swait.ge [sflag:s3], $0x200  }
0x3a: {  	[sflag:s3] =	ssyncset.done $0x0  }
0x3b: {  	[sflag:s3] =	ssyncadd.s32 $0xFFFFFE00  }
0x3c: {  	[tilespmem:s6], [sflag:$0x1] =	stream.indirect.gather [hbm4b:s5+s6], $0x80, s2, s6, $0xb8;
	[tilespmem:$0x10200] =	vst v63  }
0x3d: {  	_ =	swait.ge [sflag:s7], $0x10000  }
0x3e: {  	[sflag:s7] =	ssyncset.done $0x0  }
0x3f: {  	[sflag:s7] =	ssyncadd.s32 $0xFFFF0000  }
0x40: {  	[hbm4b:s10+s2] =	stream.linear.scatter [tilespmem:s6], [sflag:$0x2], $0x10000, $0x38;
	[tilespmem:$0x10200] =	vst v63  }
0x41: {  	_ =	swait.ge [sflag:s3], $0x10000  }
0x42: {  	[sflag:s3] =	ssyncset.done $0x0  }
0x43: {  	[sflag:s3] =	ssyncadd.s32 $0xFFFF0000  }
0x44: {  	[tilespmem:s2], [sflag:$0x2] =	stream.linear.gather [hbm4b:s11+s2], $0x200, $0x38;
	[tilespmem:$0x10200] =	vst v63  }
0x45: {  	_ =	swait.ge [sflag:s3], $0x200  }
0x46: {  	[sflag:s3] =	ssyncset.done $0x0  }
0x47: {  	[sflag:s3] =	ssyncadd.s32 $0xFFFFFE00  }
0x48: {  	[tilespmem:s6], [sflag:$0x1] =	stream.indirect.gather [hbm4b:s12+s6], $0x80, s2, s6, $0xb8;
	[tilespmem:$0x10200] =	vst v63  }
0x49: {  	_ =	swait.ge [sflag:s7], $0x10000  }
.Ltmp1:
0x4a: {  	[sflag:s7] =	ssyncset.done $0x0;
	(pc) =	sbr.rel @p0 .LBB2_1-.Ltmp1, $4  }
0x4b: {  	[sflag:s7] =	ssyncadd.s32 $0xFFFF0000  }
0x4c: {  	[hbm4b:s13+s2] =	stream.linear.scatter [tilespmem:s6], [sflag:$0x2], $0x10000, $0x38;
	[tilespmem:$0x10200] =	vst v63  }
0x4d: {  	_ =	swait.ge [sflag:s3], $0x10000  }
0x4e: {  	[sflag:s3] =	ssyncset.done $0x0  }
.LBB2_2:
0x4f: {  	[sflag:s3] =	ssyncadd.s32 $0xFFFF0000  }
0x50: {  	_ =	sfence.sel $0x180000  }
0x51: {  	[bflag:$0x0] =	sbarrier.arrive $0xFFFF  }
0x52: {  	p0 =	sne.s32 s0, $0x0;
	_ =	strace $0x90000047  }
0x53: {  	s0 =	sadd.s32 @!p0 $0x100000, s1;
	[bflag:$0x2] =	sbarrier.arrive $0xFFFF  }
0x54: {  	[sflag:s0] =	ssyncadd.tile.s32 @!p0 $0x1;
	_ =	shalt  }
.Lfunc_end2:
_tile_overlayer_lowered:
.L_overlay_start_2:
0x55: {  	(tag) =	ssettag $0x2  }
0x56: {  	s0 =	rddreg [dreg:$0x0];
	s2 =	stileid.u32  }
0x57: {  	s1 =	rddreg [dreg:$0x1];
	p0 =	sne.s32 s2, $0x0  }
0x58: {  	s3 =	rddreg [dreg:$0x2];
	[bflag:$0x3] =	sbarrier.arrive $0xFFFF;
	s2 =	simm.s32 @!p0 $0x1C02  }
0x59: {  	[timem:s3], [sflag:s2] =	dma.local @!p0 [hbm:s0], s1  }
0x5a: {  	s0 =	simm.s32 @!p0 $0x2  }
0x5b: {  	_ =	swait.ge @!p0 [sflag:s0], s1  }
0x5c: {  	s1 =	ssub.s32 @!p0 $0x0, s1;
	[sflag:s0] =	ssyncset.done @!p0 $0x0  }
0x5d: {  	[sflag:s0] =	ssyncadd.s32 @!p0 s1  }
0x5e: {  	[bflag:$0x3] =	sbarrier.arrive $0xFFFF  }
0x5f: {  	_ =	shalt  }

</sc_bundles>
